<compile_context>
chip_gen: v7x
topology: tpu7x:2x2x1
jax: 0.10.2.dev20260603
libtpu: 0.0.44.dev20260713+nightly
codegen_flags: <defaults>
</compile_context>

<pallas_src>
import functools

import jax
import jax.numpy as jnp
from jax import lax
from jax.experimental import pallas as pl
from jax.experimental.pallas import tpu as pltpu
from jax.experimental.pallas import tpu_sc as plsc

B, T = 4096, 200
NUM_EMB = 260
EMBED_DIM = 128
N_TOK = B * T

NC, NS, L = 2, 16, 16
NW = NC * NS
TOK_PER_W = N_TOK // NW

C = 128
GROUPS = TOK_PER_W // C
MROWS = TOK_PER_W // EMBED_DIM
HROWS = MROWS // 2

_MAGIC = 1.5 * 2**23


def _quantize(x):
    q = x * jnp.float32(2.0)
    r = (q + jnp.float32(_MAGIC)) - jnp.float32(_MAGIC)
    i = r.astype(jnp.int32)
    return jnp.minimum(jnp.maximum(i, 0), NUM_EMB - 1)


def _sc_embed(midi2d, table):
    mesh = plsc.VectorSubcoreMesh(core_axis_name="c", subcore_axis_name="s")

    @functools.partial(
        pl.kernel,
        mesh=mesh,
        out_type=jax.ShapeDtypeStruct((N_TOK, EMBED_DIM), jnp.float32),
        scratch_types=[
            pltpu.VMEM((TOK_PER_W,), jnp.int32),
            pltpu.VMEM((C, EMBED_DIM), jnp.float32),
            pltpu.VMEM((C, EMBED_DIM), jnp.float32),
            pltpu.VMEM((C, EMBED_DIM), jnp.float32),
            pltpu.VMEM((C, EMBED_DIM), jnp.float32),
            pltpu.VMEM_SHARED((NUM_EMB, EMBED_DIM), jnp.float32),
            pltpu.SemaphoreType.DMA,
            pltpu.SemaphoreType.DMA,
            pltpu.SemaphoreType.DMA,
            pltpu.SemaphoreType.DMA,
            pltpu.SemaphoreType.DMA,
            pltpu.SemaphoreType.DMA,
            pltpu.SemaphoreType.DMA,
            pltpu.SemaphoreType.DMA,
            pltpu.SemaphoreType.DMA,
            pltpu.SemaphoreType.DMA,
            pltpu.SemaphoreType.DMA,
        ],
    )
    def k(midi_hbm, table_hbm, out_hbm, idx_all,
          r0, r1, r2, r3, table_v, g0, g1, g2, g3, o0, o1, o2, o3,
          tsem, m0, m1):
        rows = (r0, r1, r2, r3)
        gsem = (g0, g1, g2, g3)
        osem = (o0, o1, o2, o3)
        wid = lax.axis_index("s") * NC + lax.axis_index("c")
        w_base = wid * TOK_PER_W
        w_mrow = wid * MROWS

        @pl.when(lax.axis_index("s") == 0)
        def _stage():
            pltpu.async_copy(table_hbm, table_v, tsem)
        msem = (m0, m1)
        halves = ((0, 104), (104, 96))
        for half, (roff0, nrows) in enumerate(halves):
            pltpu.async_copy(
                midi_hbm.at[pl.ds(w_mrow + roff0, nrows)],
                rows[half].at[pl.ds(0, nrows)], msem[half])

        for half, (roff0, nrows) in enumerate(halves):
            buf = rows[half]
            pltpu.make_async_copy(
                midi_hbm.at[pl.ds(w_mrow + roff0, nrows)],
                buf.at[pl.ds(0, nrows)], msem[half]).wait()

            def qbody(r, _, roff0=roff0, buf=buf):
                toff = (roff0 + r) * EMBED_DIM
                for j in range(EMBED_DIM // L):
                    idx_all[pl.ds(toff + j * L, L)] = _quantize(
                        buf[r, pl.ds(j * L, L)])
                return ()

            lax.fori_loop(0, nrows, qbody, (), unroll=False)

        @pl.when(lax.axis_index("s") == 0)
        def _stage_wait():
            pltpu.make_async_copy(table_hbm, table_v, tsem).wait()
        plsc.subcore_barrier()

        def fire_g(g, s):
            pltpu.async_copy(
                table_v.at[idx_all.at[pl.ds(pl.multiple_of(g * C, C), C)]],
                rows[s], gsem[s])

        def wait_g(g, s):
            pltpu.make_async_copy(
                table_v.at[idx_all.at[pl.ds(pl.multiple_of(g * C, C), C)]],
                rows[s], gsem[s]).wait()

        def fire_out(g, s):
            pltpu.async_copy(
                rows[s],
                out_hbm.at[pl.ds(pl.multiple_of(w_base + g * C, C), C)],
                osem[s])

        def wait_out(g, s):
            pltpu.make_async_copy(
                rows[s],
                out_hbm.at[pl.ds(pl.multiple_of(w_base + g * C, C), C)],
                osem[s]).wait()

        fire_g(0, 0)
        fire_g(1, 1)
        wait_g(0, 0)
        fire_out(0, 0)
        fire_g(2, 2)
        wait_g(1, 1)
        fire_out(1, 1)
        fire_g(3, 3)

        def body(kk, _):
            for u in range(4):
                g = 4 * kk + 2 + u
                s = (2 + u) % 4
                wait_g(g, s)
                fire_out(g, s)
                wait_out(g - 2, (s + 2) % 4)
                fire_g(g + 2, (s + 2) % 4)
            return ()

        lax.fori_loop(0, (GROUPS - 4) // 4, body, (), unroll=False)

        wait_g(GROUPS - 2, (GROUPS - 2) % 4)
        fire_out(GROUPS - 2, (GROUPS - 2) % 4)
        wait_out(GROUPS - 4, GROUPS % 4)
        wait_g(GROUPS - 1, (GROUPS - 1) % 4)
        fire_out(GROUPS - 1, (GROUPS - 1) % 4)
        wait_out(GROUPS - 3, (GROUPS + 1) % 4)
        wait_out(GROUPS - 2, (GROUPS - 2) % 4)
        wait_out(GROUPS - 1, (GROUPS - 1) % 4)

    return k(midi2d, table)


def kernel(midi_values, table):
    midi2d = midi_values.reshape(N_TOK // EMBED_DIM, EMBED_DIM)
    out = _sc_embed(midi2d, table)
    return out.reshape(B, T, EMBED_DIM)

# --- scband reference (transcript-rebuilt; emitter-appended) ---
"""Pipeline reference for scband-mididigital-embedding-4569845203648 (READ-ONLY COPY).

The authoritative reference and input builder live on the scoring server;
editing this copy changes nothing except your own understanding.
"""

import jax, jax.numpy as jnp
import numpy as np

NUM_CLASSES = 128 + 2  # 130
SCALE = 2
NUM_EMB = NUM_CLASSES * SCALE  # 260
EMBED_DIM = 128
B, T = 4096, 200


def setup_inputs(seed: int = 0) -> dict:
    key = jax.random.key(seed)
    k1, k2 = jax.random.split(key)
    # continuous MIDI values roughly in [0, 127]
    midi_values = jax.random.uniform(k1, (B, T), dtype=jnp.float32) * 127.0
    # learned embedding table, matches nn.Embedding(260, 128) init ~ N(0,1)
    table = jax.random.normal(k2, (NUM_EMB, EMBED_DIM), dtype=jnp.float32)
    return {"midi_values": midi_values, "table": table}


def reference(midi_values, table):
    # midi_to_class: quantize continuous values at resolution SCALE, clamp to table range
    class_indices = jnp.round(midi_values * SCALE).astype(jnp.int32)
    class_indices = jnp.clip(class_indices, 0, NUM_EMB - 1)
    # embedding lookup -> [B, T, embed_dim]
    embeddings = jnp.take(table, class_indices, axis=0)
    return embeddings

if __name__ == "__main__":
    import jax
    _d = setup_inputs()
    print(jax.jit(kernel)(*tuple(_d.values())))

</pallas_src>

<mosaic_0001>
#map = affine_map<(d0, d1) -> (0, 0)>
module attributes {stable_mosaic.version = 14 : i64} {
  func.func @k(%arg0: i32, %arg1: i32, %arg2: memref<6400x128xf32, #tpu.memory_space<hbm>>, %arg3: memref<260x128xf32, #tpu.memory_space<hbm>>, %arg4: memref<819200x128xf32, #tpu.memory_space<hbm>>, %arg5: memref<25600xi32, #tpu.memory_space<vmem>>, %arg6: memref<128x128xf32, #tpu.memory_space<vmem>>, %arg7: memref<128x128xf32, #tpu.memory_space<vmem>>, %arg8: memref<128x128xf32, #tpu.memory_space<vmem>>, %arg9: memref<128x128xf32, #tpu.memory_space<vmem>>, %arg10: memref<260x128xf32, #tpu.memory_space<vmem_shared>>, %arg11: memref<!tpu.dma_semaphore, #tpu.memory_space<semaphore_mem>>, %arg12: memref<!tpu.dma_semaphore, #tpu.memory_space<semaphore_mem>>, %arg13: memref<!tpu.dma_semaphore, #tpu.memory_space<semaphore_mem>>, %arg14: memref<!tpu.dma_semaphore, #tpu.memory_space<semaphore_mem>>, %arg15: memref<!tpu.dma_semaphore, #tpu.memory_space<semaphore_mem>>, %arg16: memref<!tpu.dma_semaphore, #tpu.memory_space<semaphore_mem>>, %arg17: memref<!tpu.dma_semaphore, #tpu.memory_space<semaphore_mem>>, %arg18: memref<!tpu.dma_semaphore, #tpu.memory_space<semaphore_mem>>, %arg19: memref<!tpu.dma_semaphore, #tpu.memory_space<semaphore_mem>>, %arg20: memref<!tpu.dma_semaphore, #tpu.memory_space<semaphore_mem>>, %arg21: memref<!tpu.dma_semaphore, #tpu.memory_space<semaphore_mem>>) attributes {dimension_semantics = [#tpu.dimension_semantics<core_parallel>, #tpu.dimension_semantics<subcore_parallel>], iteration_bounds = array<i64: 2, 16>, scalar_prefetch = 0 : i64, scratch_operands = 17 : i64, tpu.core_type = #tpu.core_type<sc_vector_subcore>, window_params = [{transform_indices = #map}, {transform_indices = #map}, {transform_indices = #map}]} {
    %mul3A = arith.constant 2 : i32
    %mul3A_0 = arith.muli %arg1, %mul3A : i32
    %add3A = arith.addi %mul3A_0, %arg0 : i32
    %mul3A_1 = arith.constant 25600 : i32
    %mul3A_2 = arith.muli %add3A, %mul3A_1 : i32
    %mul3A_3 = arith.constant 200 : i32
    %mul3A_4 = arith.muli %add3A, %mul3A_3 : i32
    %eq3A = arith.constant 0 : i32
    %eq3A_5 = arith.cmpi eq, %arg1, %eq3A : i32
    %convert_element_type3A = arith.extui %eq3A_5 : i1 to i32
    %cond3A = arith.constant 0 : i32
    %cond3A_6 = arith.cmpi ne, %convert_element_type3A, %cond3A : i32
    scf.if %cond3A_6 {
      tpu.enqueue_dma source(%arg3 : memref<260x128xf32, #tpu.memory_space<hbm>>) target(%arg10 : memref<260x128xf32, #tpu.memory_space<vmem_shared>>) target_semaphore(%arg19 : memref<!tpu.dma_semaphore, #tpu.memory_space<semaphore_mem>>)
    } else {
    }
    %add3A_7 = arith.constant 0 : i32
    %add3A_8 = arith.addi %mul3A_4, %add3A_7 : i32
    %dma_start3A = arith.constant 0 : i32
    %dma_start3A_9 = arith.constant 0 : i32
    %dma_start3A_10 = tpu.memref_slice %arg6[%dma_start3A, %dma_start3A_9] : memref<128x128xf32, #tpu.memory_space<vmem>> -> memref<104x128xf32, #tpu.memory_space<vmem>>
    %dma_start3A_11 = arith.constant 0 : i32
    %dma_start3A_12 = tpu.memref_slice %arg2[%add3A_8, %dma_start3A_11] : memref<6400x128xf32, #tpu.memory_space<hbm>> -> memref<104x128xf32, #tpu.memory_space<hbm>>
    %dma_start3A_13 = arith.constant 0 : i32
    %dma_start3A_14 = arith.constant 0 : i32
    %dma_start3A_15 = tpu.memref_slice %arg6[%dma_start3A_13, %dma_start3A_14] : memref<128x128xf32, #tpu.memory_space<vmem>> -> memref<104x128xf32, #tpu.memory_space<vmem>>
    %dma_start3A_16 = arith.constant 0 : i32
    %dma_start3A_17 = tpu.memref_slice %arg2[%add3A_8, %dma_start3A_16] : memref<6400x128xf32, #tpu.memory_space<hbm>> -> memref<104x128xf32, #tpu.memory_space<hbm>>
    tpu.enqueue_dma source(%dma_start3A_17 : memref<104x128xf32, #tpu.memory_space<hbm>>) target(%dma_start3A_15 : memref<104x128xf32, #tpu.memory_space<vmem>>) target_semaphore(%arg20 : memref<!tpu.dma_semaphore, #tpu.memory_space<semaphore_mem>>)
    %add3A_18 = arith.constant 104 : i32
    %add3A_19 = arith.addi %mul3A_4, %add3A_18 : i32
    %dma_start3A_20 = arith.constant 0 : i32
    %dma_start3A_21 = arith.constant 0 : i32
    %dma_start3A_22 = tpu.memref_slice %arg7[%dma_start3A_20, %dma_start3A_21] : memref<128x128xf32, #tpu.memory_space<vmem>> -> memref<96x128xf32, #tpu.memory_space<vmem>>
    %dma_start3A_23 = arith.constant 0 : i32
    %dma_start3A_24 = tpu.memref_slice %arg2[%add3A_19, %dma_start3A_23] : memref<6400x128xf32, #tpu.memory_space<hbm>> -> memref<96x128xf32, #tpu.memory_space<hbm>>
    %dma_start3A_25 = arith.constant 0 : i32
    %dma_start3A_26 = arith.constant 0 : i32
    %dma_start3A_27 = tpu.memref_slice %arg7[%dma_start3A_25, %dma_start3A_26] : memref<128x128xf32, #tpu.memory_space<vmem>> -> memref<96x128xf32, #tpu.memory_space<vmem>>
    %dma_start3A_28 = arith.constant 0 : i32
    %dma_start3A_29 = tpu.memref_slice %arg2[%add3A_19, %dma_start3A_28] : memref<6400x128xf32, #tpu.memory_space<hbm>> -> memref<96x128xf32, #tpu.memory_space<hbm>>
    tpu.enqueue_dma source(%dma_start3A_29 : memref<96x128xf32, #tpu.memory_space<hbm>>) target(%dma_start3A_27 : memref<96x128xf32, #tpu.memory_space<vmem>>) target_semaphore(%arg21 : memref<!tpu.dma_semaphore, #tpu.memory_space<semaphore_mem>>)
    %add3A_30 = arith.constant 0 : i32
    %add3A_31 = arith.addi %mul3A_4, %add3A_30 : i32
    %dma_wait3A = arith.constant 0 : i32
    %dma_wait3A_32 = arith.constant 0 : i32
    %dma_wait3A_33 = tpu.memref_slice %arg6[%dma_wait3A, %dma_wait3A_32] : memref<128x128xf32, #tpu.memory_space<vmem>> -> memref<104x128xf32, #tpu.memory_space<vmem>>
    %dma_wait3A_34 = arith.constant 0 : i32
    %dma_wait3A_35 = tpu.memref_slice %arg2[%add3A_31, %dma_wait3A_34] : memref<6400x128xf32, #tpu.memory_space<hbm>> -> memref<104x128xf32, #tpu.memory_space<hbm>>
    %dma_wait3A_36 = arith.constant 0 : i32
    %dma_wait3A_37 = arith.constant 0 : i32
    %dma_wait3A_38 = tpu.memref_slice %arg6[%dma_wait3A_36, %dma_wait3A_37] : memref<128x128xf32, #tpu.memory_space<vmem>> -> memref<104x128xf32, #tpu.memory_space<vmem>>
    %dma_wait3A_39 = arith.constant 0 : i32
    %dma_wait3A_40 = tpu.memref_slice %arg2[%add3A_31, %dma_wait3A_39] : memref<6400x128xf32, #tpu.memory_space<hbm>> -> memref<104x128xf32, #tpu.memory_space<hbm>>
    tpu.wait_dma2 semaphore(%arg20 : memref<!tpu.dma_semaphore, #tpu.memory_space<semaphore_mem>>) src(%dma_wait3A_40 : memref<104x128xf32, #tpu.memory_space<hbm>>) dst(%dma_wait3A_38 : memref<104x128xf32, #tpu.memory_space<vmem>>)
    %scan3A = arith.constant 0 : i32
    %scan3A_41 = arith.constant 104 : i32
    %scan3A_42 = arith.addi %scan3A, %scan3A_41 : i32
    %scan3A_43 = arith.constant 1 : i32
    scf.for %scan3A_175 = %scan3A to %scan3A_42 step %scan3A_43  : i32 {
      %add3A_176 = arith.constant 0 : i32
      %add3A_177 = arith.addi %add3A_176, %scan3A_175 : i32
      %mul3A_178 = arith.constant 128 : i32
      %mul3A_179 = arith.muli %add3A_177, %mul3A_178 : i32
      %get3A = arith.index_cast %scan3A_175 : i32 to index
      %get3A_180 = arith.constant 0 : index
      %get3A_181 = tpu.vector_load %arg6[%get3A, %get3A_180] {strides = array<i32>} : memref<128x128xf32, #tpu.memory_space<vmem>>, vector<1x16xf32>,
      %get3A_182 = vector.shape_cast %get3A_181 : vector<1x16xf32> to vector<16xf32>
      %mul3A_183 = arith.constant 2.000000e+00 : f32
      %mul3A_184 = vector.broadcast %mul3A_183 : f32 to vector<16xf32>
      %mul3A_185 = arith.mulf %get3A_182, %mul3A_184 : vector<16xf32>
      %add3A_186 = arith.constant 0x4B400000 : f32
      %add3A_187 = vector.broadcast %add3A_186 : f32 to vector<16xf32>
      %add3A_188 = arith.addf %mul3A_185, %add3A_187 : vector<16xf32>
      %sub3A = arith.constant 0x4B400000 : f32
      %sub3A_189 = vector.broadcast %sub3A : f32 to vector<16xf32>
      %sub3A_190 = arith.subf %add3A_188, %sub3A_189 : vector<16xf32>
      %convert_element_type3A_191 = arith.fptosi %sub3A_190 : vector<16xf32> to vector<16xi32>
      %max3A = arith.constant 0 : i32
      %max3A_192 = vector.broadcast %max3A : i32 to vector<16xi32>
      %max3A_193 = arith.maxsi %convert_element_type3A_191, %max3A_192 : vector<16xi32>
      %min3A = arith.constant 259 : i32
      %min3A_194 = vector.broadcast %min3A : i32 to vector<16xi32>
      %min3A_195 = arith.minsi %max3A_193, %min3A_194 : vector<16xi32>
      %add3A_196 = arith.constant 0 : i32
      %add3A_197 = arith.addi %mul3A_179, %add3A_196 : i32
      %swap3A = arith.index_cast %add3A_197 : i32 to index
      %swap3A_198 = tpu.vector_load %arg5[%swap3A] {strides = array<i32>} : memref<25600xi32, #tpu.memory_space<vmem>>, vector<16xi32>,
      %swap3A_199 = vector.shape_cast %swap3A_198 : vector<16xi32> to vector<16xi32>
      %swap3A_200 = vector.shape_cast %min3A_195 : vector<16xi32> to vector<16xi32>
      tpu.vector_store %arg5[%swap3A], %swap3A_200 {strides = array<i32>} : memref<25600xi32, #tpu.memory_space<vmem>>, vector<16xi32>,
      %get3A_201 = arith.index_cast %scan3A_175 : i32 to index
      %get3A_202 = arith.constant 16 : index
      %get3A_203 = tpu.vector_load %arg6[%get3A_201, %get3A_202] {strides = array<i32>} : memref<128x128xf32, #tpu.memory_space<vmem>>, vector<1x16xf32>,
      %get3A_204 = vector.shape_cast %get3A_203 : vector<1x16xf32> to vector<16xf32>
      %mul3A_205 = arith.constant 2.000000e+00 : f32
      %mul3A_206 = vector.broadcast %mul3A_205 : f32 to vector<16xf32>
      %mul3A_207 = arith.mulf %get3A_204, %mul3A_206 : vector<16xf32>
      %add3A_208 = arith.constant 0x4B400000 : f32
      %add3A_209 = vector.broadcast %add3A_208 : f32 to vector<16xf32>
      %add3A_210 = arith.addf %mul3A_207, %add3A_209 : vector<16xf32>
      %sub3A_211 = arith.constant 0x4B400000 : f32
      %sub3A_212 = vector.broadcast %sub3A_211 : f32 to vector<16xf32>
      %sub3A_213 = arith.subf %add3A_210, %sub3A_212 : vector<16xf32>
      %convert_element_type3A_214 = arith.fptosi %sub3A_213 : vector<16xf32> to vector<16xi32>
      %max3A_215 = arith.constant 0 : i32
      %max3A_216 = vector.broadcast %max3A_215 : i32 to vector<16xi32>
      %max3A_217 = arith.maxsi %convert_element_type3A_214, %max3A_216 : vector<16xi32>
      %min3A_218 = arith.constant 259 : i32
      %min3A_219 = vector.broadcast %min3A_218 : i32 to vector<16xi32>
      %min3A_220 = arith.minsi %max3A_217, %min3A_219 : vector<16xi32>
      %add3A_221 = arith.constant 16 : i32
      %add3A_222 = arith.addi %mul3A_179, %add3A_221 : i32
      %swap3A_223 = arith.index_cast %add3A_222 : i32 to index
      %swap3A_224 = tpu.vector_load %arg5[%swap3A_223] {strides = array<i32>} : memref<25600xi32, #tpu.memory_space<vmem>>, vector<16xi32>,
      %swap3A_225 = vector.shape_cast %swap3A_224 : vector<16xi32> to vector<16xi32>
      %swap3A_226 = vector.shape_cast %min3A_220 : vector<16xi32> to vector<16xi32>
      tpu.vector_store %arg5[%swap3A_223], %swap3A_226 {strides = array<i32>} : memref<25600xi32, #tpu.memory_space<vmem>>, vector<16xi32>,
      %get3A_227 = arith.index_cast %scan3A_175 : i32 to index
      %get3A_228 = arith.constant 32 : index
      %get3A_229 = tpu.vector_load %arg6[%get3A_227, %get3A_228] {strides = array<i32>} : memref<128x128xf32, #tpu.memory_space<vmem>>, vector<1x16xf32>,
      %get3A_230 = vector.shape_cast %get3A_229 : vector<1x16xf32> to vector<16xf32>
      %mul3A_231 = arith.constant 2.000000e+00 : f32
      %mul3A_232 = vector.broadcast %mul3A_231 : f32 to vector<16xf32>
      %mul3A_233 = arith.mulf %get3A_230, %mul3A_232 : vector<16xf32>
      %add3A_234 = arith.constant 0x4B400000 : f32
      %add3A_235 = vector.broadcast %add3A_234 : f32 to vector<16xf32>
      %add3A_236 = arith.addf %mul3A_233, %add3A_235 : vector<16xf32>
      %sub3A_237 = arith.constant 0x4B400000 : f32
      %sub3A_238 = vector.broadcast %sub3A_237 : f32 to vector<16xf32>
      %sub3A_239 = arith.subf %add3A_236, %sub3A_238 : vector<16xf32>
      %convert_element_type3A_240 = arith.fptosi %sub3A_239 : vector<16xf32> to vector<16xi32>
      %max3A_241 = arith.constant 0 : i32
      %max3A_242 = vector.broadcast %max3A_241 : i32 to vector<16xi32>
      %max3A_243 = arith.maxsi %convert_element_type3A_240, %max3A_242 : vector<16xi32>
      %min3A_244 = arith.constant 259 : i32
      %min3A_245 = vector.broadcast %min3A_244 : i32 to vector<16xi32>
      %min3A_246 = arith.minsi %max3A_243, %min3A_245 : vector<16xi32>
      %add3A_247 = arith.constant 32 : i32
      %add3A_248 = arith.addi %mul3A_179, %add3A_247 : i32
      %swap3A_249 = arith.index_cast %add3A_248 : i32 to index
      %swap3A_250 = tpu.vector_load %arg5[%swap3A_249] {strides = array<i32>} : memref<25600xi32, #tpu.memory_space<vmem>>, vector<16xi32>,
      %swap3A_251 = vector.shape_cast %swap3A_250 : vector<16xi32> to vector<16xi32>
      %swap3A_252 = vector.shape_cast %min3A_246 : vector<16xi32> to vector<16xi32>
      tpu.vector_store %arg5[%swap3A_249], %swap3A_252 {strides = array<i32>} : memref<25600xi32, #tpu.memory_space<vmem>>, vector<16xi32>,
      %get3A_253 = arith.index_cast %scan3A_175 : i32 to index
      %get3A_254 = arith.constant 48 : index
      %get3A_255 = tpu.vector_load %arg6[%get3A_253, %get3A_254] {strides = array<i32>} : memref<128x128xf32, #tpu.memory_space<vmem>>, vector<1x16xf32>,
      %get3A_256 = vector.shape_cast %get3A_255 : vector<1x16xf32> to vector<16xf32>
      %mul3A_257 = arith.constant 2.000000e+00 : f32
      %mul3A_258 = vector.broadcast %mul3A_257 : f32 to vector<16xf32>
      %mul3A_259 = arith.mulf %get3A_256, %mul3A_258 : vector<16xf32>
      %add3A_260 = arith.constant 0x4B400000 : f32
      %add3A_261 = vector.broadcast %add3A_260 : f32 to vector<16xf32>
      %add3A_262 = arith.addf %mul3A_259, %add3A_261 : vector<16xf32>
      %sub3A_263 = arith.constant 0x4B400000 : f32
      %sub3A_264 = vector.broadcast %sub3A_263 : f32 to vector<16xf32>
      %sub3A_265 = arith.subf %add3A_262, %sub3A_264 : vector<16xf32>
      %convert_element_type3A_266 = arith.fptosi %sub3A_265 : vector<16xf32> to vector<16xi32>
      %max3A_267 = arith.constant 0 : i32
      %max3A_268 = vector.broadcast %max3A_267 : i32 to vector<16xi32>
      %max3A_269 = arith.maxsi %convert_element_type3A_266, %max3A_268 : vector<16xi32>
      %min3A_270 = arith.constant 259 : i32
      %min3A_271 = vector.broadcast %min3A_270 : i32 to vector<16xi32>
      %min3A_272 = arith.minsi %max3A_269, %min3A_271 : vector<16xi32>
      %add3A_273 = arith.constant 48 : i32
      %add3A_274 = arith.addi %mul3A_179, %add3A_273 : i32
      %swap3A_275 = arith.index_cast %add3A_274 : i32 to index
      %swap3A_276 = tpu.vector_load %arg5[%swap3A_275] {strides = array<i32>} : memref<25600xi32, #tpu.memory_space<vmem>>, vector<16xi32>,
      %swap3A_277 = vector.shape_cast %swap3A_276 : vector<16xi32> to vector<16xi32>
      %swap3A_278 = vector.shape_cast %min3A_272 : vector<16xi32> to vector<16xi32>
      tpu.vector_store %arg5[%swap3A_275], %swap3A_278 {strides = array<i32>} : memref<25600xi32, #tpu.memory_space<vmem>>, vector<16xi32>,
      %get3A_279 = arith.index_cast %scan3A_175 : i32 to index
      %get3A_280 = arith.constant 64 : index
      %get3A_281 = tpu.vector_load %arg6[%get3A_279, %get3A_280] {strides = array<i32>} : memref<128x128xf32, #tpu.memory_space<vmem>>, vector<1x16xf32>,
      %get3A_282 = vector.shape_cast %get3A_281 : vector<1x16xf32> to vector<16xf32>
      %mul3A_283 = arith.constant 2.000000e+00 : f32
      %mul3A_284 = vector.broadcast %mul3A_283 : f32 to vector<16xf32>
      %mul3A_285 = arith.mulf %get3A_282, %mul3A_284 : vector<16xf32>
      %add3A_286 = arith.constant 0x4B400000 : f32
      %add3A_287 = vector.broadcast %add3A_286 : f32 to vector<16xf32>
      %add3A_288 = arith.addf %mul3A_285, %add3A_287 : vector<16xf32>
      %sub3A_289 = arith.constant 0x4B400000 : f32
      %sub3A_290 = vector.broadcast %sub3A_289 : f32 to vector<16xf32>
      %sub3A_291 = arith.subf %add3A_288, %sub3A_290 : vector<16xf32>
      %convert_element_type3A_292 = arith.fptosi %sub3A_291 : vector<16xf32> to vector<16xi32>
      %max3A_293 = arith.constant 0 : i32
      %max3A_294 = vector.broadcast %max3A_293 : i32 to vector<16xi32>
      %max3A_295 = arith.maxsi %convert_element_type3A_292, %max3A_294 : vector<16xi32>
      %min3A_296 = arith.constant 259 : i32
      %min3A_297 = vector.broadcast %min3A_296 : i32 to vector<16xi32>
      %min3A_298 = arith.minsi %max3A_295, %min3A_297 : vector<16xi32>
      %add3A_299 = arith.constant 64 : i32
      %add3A_300 = arith.addi %mul3A_179, %add3A_299 : i32
      %swap3A_301 = arith.index_cast %add3A_300 : i32 to index
      %swap3A_302 = tpu.vector_load %arg5[%swap3A_301] {strides = array<i32>} : memref<25600xi32, #tpu.memory_space<vmem>>, vector<16xi32>,
      %swap3A_303 = vector.shape_cast %swap3A_302 : vector<16xi32> to vector<16xi32>
      %swap3A_304 = vector.shape_cast %min3A_298 : vector<16xi32> to vector<16xi32>
      tpu.vector_store %arg5[%swap3A_301], %swap3A_304 {strides = array<i32>} : memref<25600xi32, #tpu.memory_space<vmem>>, vector<16xi32>,
      %get3A_305 = arith.index_cast %scan3A_175 : i32 to index
      %get3A_306 = arith.constant 80 : index
      %get3A_307 = tpu.vector_load %arg6[%get3A_305, %get3A_306] {strides = array<i32>} : memref<128x128xf32, #tpu.memory_space<vmem>>, vector<1x16xf32>,
      %get3A_308 = vector.shape_cast %get3A_307 : vector<1x16xf32> to vector<16xf32>
      %mul3A_309 = arith.constant 2.000000e+00 : f32
      %mul3A_310 = vector.broadcast %mul3A_309 : f32 to vector<16xf32>
      %mul3A_311 = arith.mulf %get3A_308, %mul3A_310 : vector<16xf32>
      %add3A_312 = arith.constant 0x4B400000 : f32
      %add3A_313 = vector.broadcast %add3A_312 : f32 to vector<16xf32>
      %add3A_314 = arith.addf %mul3A_311, %add3A_313 : vector<16xf32>
      %sub3A_315 = arith.constant 0x4B400000 : f32
      %sub3A_316 = vector.broadcast %sub3A_315 : f32 to vector<16xf32>
      %sub3A_317 = arith.subf %add3A_314, %sub3A_316 : vector<16xf32>
      %convert_element_type3A_318 = arith.fptosi %sub3A_317 : vector<16xf32> to vector<16xi32>
      %max3A_319 = arith.constant 0 : i32
      %max3A_320 = vector.broadcast %max3A_319 : i32 to vector<16xi32>
      %max3A_321 = arith.maxsi %convert_element_type3A_318, %max3A_320 : vector<16xi32>
      %min3A_322 = arith.constant 259 : i32
      %min3A_323 = vector.broadcast %min3A_322 : i32 to vector<16xi32>
      %min3A_324 = arith.minsi %max3A_321, %min3A_323 : vector<16xi32>
      %add3A_325 = arith.constant 80 : i32
      %add3A_326 = arith.addi %mul3A_179, %add3A_325 : i32
      %swap3A_327 = arith.index_cast %add3A_326 : i32 to index
      %swap3A_328 = tpu.vector_load %arg5[%swap3A_327] {strides = array<i32>} : memref<25600xi32, #tpu.memory_space<vmem>>, vector<16xi32>,
      %swap3A_329 = vector.shape_cast %swap3A_328 : vector<16xi32> to vector<16xi32>
      %swap3A_330 = vector.shape_cast %min3A_324 : vector<16xi32> to vector<16xi32>
      tpu.vector_store %arg5[%swap3A_327], %swap3A_330 {strides = array<i32>} : memref<25600xi32, #tpu.memory_space<vmem>>, vector<16xi32>,
      %get3A_331 = arith.index_cast %scan3A_175 : i32 to index
      %get3A_332 = arith.constant 96 : index
      %get3A_333 = tpu.vector_load %arg6[%get3A_331, %get3A_332] {strides = array<i32>} : memref<128x128xf32, #tpu.memory_space<vmem>>, vector<1x16xf32>,
      %get3A_334 = vector.shape_cast %get3A_333 : vector<1x16xf32> to vector<16xf32>
      %mul3A_335 = arith.constant 2.000000e+00 : f32
      %mul3A_336 = vector.broadcast %mul3A_335 : f32 to vector<16xf32>
      %mul3A_337 = arith.mulf %get3A_334, %mul3A_336 : vector<16xf32>
      %add3A_338 = arith.constant 0x4B400000 : f32
      %add3A_339 = vector.broadcast %add3A_338 : f32 to vector<16xf32>
      %add3A_340 = arith.addf %mul3A_337, %add3A_339 : vector<16xf32>
      %sub3A_341 = arith.constant 0x4B400000 : f32
      %sub3A_342 = vector.broadcast %sub3A_341 : f32 to vector<16xf32>
      %sub3A_343 = arith.subf %add3A_340, %sub3A_342 : vector<16xf32>
      %convert_element_type3A_344 = arith.fptosi %sub3A_343 : vector<16xf32> to vector<16xi32>
      %max3A_345 = arith.constant 0 : i32
      %max3A_346 = vector.broadcast %max3A_345 : i32 to vector<16xi32>
      %max3A_347 = arith.maxsi %convert_element_type3A_344, %max3A_346 : vector<16xi32>
      %min3A_348 = arith.constant 259 : i32
      %min3A_349 = vector.broadcast %min3A_348 : i32 to vector<16xi32>
      %min3A_350 = arith.minsi %max3A_347, %min3A_349 : vector<16xi32>
      %add3A_351 = arith.constant 96 : i32
      %add3A_352 = arith.addi %mul3A_179, %add3A_351 : i32
      %swap3A_353 = arith.index_cast %add3A_352 : i32 to index
      %swap3A_354 = tpu.vector_load %arg5[%swap3A_353] {strides = array<i32>} : memref<25600xi32, #tpu.memory_space<vmem>>, vector<16xi32>,
      %swap3A_355 = vector.shape_cast %swap3A_354 : vector<16xi32> to vector<16xi32>
      %swap3A_356 = vector.shape_cast %min3A_350 : vector<16xi32> to vector<16xi32>
      tpu.vector_store %arg5[%swap3A_353], %swap3A_356 {strides = array<i32>} : memref<25600xi32, #tpu.memory_space<vmem>>, vector<16xi32>,
      %get3A_357 = arith.index_cast %scan3A_175 : i32 to index
      %get3A_358 = arith.constant 112 : index
      %get3A_359 = tpu.vector_load %arg6[%get3A_357, %get3A_358] {strides = array<i32>} : memref<128x128xf32, #tpu.memory_space<vmem>>, vector<1x16xf32>,
      %get3A_360 = vector.shape_cast %get3A_359 : vector<1x16xf32> to vector<16xf32>
      %mul3A_361 = arith.constant 2.000000e+00 : f32
      %mul3A_362 = vector.broadcast %mul3A_361 : f32 to vector<16xf32>
      %mul3A_363 = arith.mulf %get3A_360, %mul3A_362 : vector<16xf32>
      %add3A_364 = arith.constant 0x4B400000 : f32
      %add3A_365 = vector.broadcast %add3A_364 : f32 to vector<16xf32>
      %add3A_366 = arith.addf %mul3A_363, %add3A_365 : vector<16xf32>
      %sub3A_367 = arith.constant 0x4B400000 : f32
      %sub3A_368 = vector.broadcast %sub3A_367 : f32 to vector<16xf32>
      %sub3A_369 = arith.subf %add3A_366, %sub3A_368 : vector<16xf32>
      %convert_element_type3A_370 = arith.fptosi %sub3A_369 : vector<16xf32> to vector<16xi32>
      %max3A_371 = arith.constant 0 : i32
      %max3A_372 = vector.broadcast %max3A_371 : i32 to vector<16xi32>
      %max3A_373 = arith.maxsi %convert_element_type3A_370, %max3A_372 : vector<16xi32>
      %min3A_374 = arith.constant 259 : i32
      %min3A_375 = vector.broadcast %min3A_374 : i32 to vector<16xi32>
      %min3A_376 = arith.minsi %max3A_373, %min3A_375 : vector<16xi32>
      %add3A_377 = arith.constant 112 : i32
      %add3A_378 = arith.addi %mul3A_179, %add3A_377 : i32
      %swap3A_379 = arith.index_cast %add3A_378 : i32 to index
      %swap3A_380 = tpu.vector_load %arg5[%swap3A_379] {strides = array<i32>} : memref<25600xi32, #tpu.memory_space<vmem>>, vector<16xi32>,
      %swap3A_381 = vector.shape_cast %swap3A_380 : vector<16xi32> to vector<16xi32>
      %swap3A_382 = vector.shape_cast %min3A_376 : vector<16xi32> to vector<16xi32>
      tpu.vector_store %arg5[%swap3A_379], %swap3A_382 {strides = array<i32>} : memref<25600xi32, #tpu.memory_space<vmem>>, vector<16xi32>,
    }
    %scan3A_44 = arith.constant 104 : i32
    %add3A_45 = arith.constant 104 : i32
    %add3A_46 = arith.addi %mul3A_4, %add3A_45 : i32
    %dma_wait3A_47 = arith.constant 0 : i32
    %dma_wait3A_48 = arith.constant 0 : i32
    %dma_wait3A_49 = tpu.memref_slice %arg7[%dma_wait3A_47, %dma_wait3A_48] : memref<128x128xf32, #tpu.memory_space<vmem>> -> memref<96x128xf32, #tpu.memory_space<vmem>>
    %dma_wait3A_50 = arith.constant 0 : i32
    %dma_wait3A_51 = tpu.memref_slice %arg2[%add3A_46, %dma_wait3A_50] : memref<6400x128xf32, #tpu.memory_space<hbm>> -> memref<96x128xf32, #tpu.memory_space<hbm>>
    %dma_wait3A_52 = arith.constant 0 : i32
    %dma_wait3A_53 = arith.constant 0 : i32
    %dma_wait3A_54 = tpu.memref_slice %arg7[%dma_wait3A_52, %dma_wait3A_53] : memref<128x128xf32, #tpu.memory_space<vmem>> -> memref<96x128xf32, #tpu.memory_space<vmem>>
    %dma_wait3A_55 = arith.constant 0 : i32
    %dma_wait3A_56 = tpu.memref_slice %arg2[%add3A_46, %dma_wait3A_55] : memref<6400x128xf32, #tpu.memory_space<hbm>> -> memref<96x128xf32, #tpu.memory_space<hbm>>
    tpu.wait_dma2 semaphore(%arg21 : memref<!tpu.dma_semaphore, #tpu.memory_space<semaphore_mem>>) src(%dma_wait3A_56 : memref<96x128xf32, #tpu.memory_space<hbm>>) dst(%dma_wait3A_54 : memref<96x128xf32, #tpu.memory_space<vmem>>)
    %scan3A_57 = arith.constant 0 : i32
    %scan3A_58 = arith.constant 96 : i32
    %scan3A_59 = arith.addi %scan3A_57, %scan3A_58 : i32
    %scan3A_60 = arith.constant 1 : i32
    scf.for %scan3A_175 = %scan3A_57 to %scan3A_59 step %scan3A_60  : i32 {
      %add3A_176 = arith.constant 104 : i32
      %add3A_177 = arith.addi %add3A_176, %scan3A_175 : i32
      %mul3A_178 = arith.constant 128 : i32
      %mul3A_179 = arith.muli %add3A_177, %mul3A_178 : i32
      %get3A = arith.index_cast %scan3A_175 : i32 to index
      %get3A_180 = arith.constant 0 : index
      %get3A_181 = tpu.vector_load %arg7[%get3A, %get3A_180] {strides = array<i32>} : memref<128x128xf32, #tpu.memory_space<vmem>>, vector<1x16xf32>,
      %get3A_182 = vector.shape_cast %get3A_181 : vector<1x16xf32> to vector<16xf32>
      %mul3A_183 = arith.constant 2.000000e+00 : f32
      %mul3A_184 = vector.broadcast %mul3A_183 : f32 to vector<16xf32>
      %mul3A_185 = arith.mulf %get3A_182, %mul3A_184 : vector<16xf32>
      %add3A_186 = arith.constant 0x4B400000 : f32
      %add3A_187 = vector.broadcast %add3A_186 : f32 to vector<16xf32>
      %add3A_188 = arith.addf %mul3A_185, %add3A_187 : vector<16xf32>
      %sub3A = arith.constant 0x4B400000 : f32
      %sub3A_189 = vector.broadcast %sub3A : f32 to vector<16xf32>
      %sub3A_190 = arith.subf %add3A_188, %sub3A_189 : vector<16xf32>
      %convert_element_type3A_191 = arith.fptosi %sub3A_190 : vector<16xf32> to vector<16xi32>
      %max3A = arith.constant 0 : i32
      %max3A_192 = vector.broadcast %max3A : i32 to vector<16xi32>
      %max3A_193 = arith.maxsi %convert_element_type3A_191, %max3A_192 : vector<16xi32>
      %min3A = arith.constant 259 : i32
      %min3A_194 = vector.broadcast %min3A : i32 to vector<16xi32>
      %min3A_195 = arith.minsi %max3A_193, %min3A_194 : vector<16xi32>
      %add3A_196 = arith.constant 0 : i32
      %add3A_197 = arith.addi %mul3A_179, %add3A_196 : i32
      %swap3A = arith.index_cast %add3A_197 : i32 to index
      %swap3A_198 = tpu.vector_load %arg5[%swap3A] {strides = array<i32>} : memref<25600xi32, #tpu.memory_space<vmem>>, vector<16xi32>,
      %swap3A_199 = vector.shape_cast %swap3A_198 : vector<16xi32> to vector<16xi32>
      %swap3A_200 = vector.shape_cast %min3A_195 : vector<16xi32> to vector<16xi32>
      tpu.vector_store %arg5[%swap3A], %swap3A_200 {strides = array<i32>} : memref<25600xi32, #tpu.memory_space<vmem>>, vector<16xi32>,
      %get3A_201 = arith.index_cast %scan3A_175 : i32 to index
      %get3A_202 = arith.constant 16 : index
      %get3A_203 = tpu.vector_load %arg7[%get3A_201, %get3A_202] {strides = array<i32>} : memref<128x128xf32, #tpu.memory_space<vmem>>, vector<1x16xf32>,
      %get3A_204 = vector.shape_cast %get3A_203 : vector<1x16xf32> to vector<16xf32>
      %mul3A_205 = arith.constant 2.000000e+00 : f32
      %mul3A_206 = vector.broadcast %mul3A_205 : f32 to vector<16xf32>
      %mul3A_207 = arith.mulf %get3A_204, %mul3A_206 : vector<16xf32>
      %add3A_208 = arith.constant 0x4B400000 : f32
      %add3A_209 = vector.broadcast %add3A_208 : f32 to vector<16xf32>
      %add3A_210 = arith.addf %mul3A_207, %add3A_209 : vector<16xf32>
      %sub3A_211 = arith.constant 0x4B400000 : f32
      %sub3A_212 = vector.broadcast %sub3A_211 : f32 to vector<16xf32>
      %sub3A_213 = arith.subf %add3A_210, %sub3A_212 : vector<16xf32>
      %convert_element_type3A_214 = arith.fptosi %sub3A_213 : vector<16xf32> to vector<16xi32>
      %max3A_215 = arith.constant 0 : i32
      %max3A_216 = vector.broadcast %max3A_215 : i32 to vector<16xi32>
      %max3A_217 = arith.maxsi %convert_element_type3A_214, %max3A_216 : vector<16xi32>
      %min3A_218 = arith.constant 259 : i32
      %min3A_219 = vector.broadcast %min3A_218 : i32 to vector<16xi32>
      %min3A_220 = arith.minsi %max3A_217, %min3A_219 : vector<16xi32>
      %add3A_221 = arith.constant 16 : i32
      %add3A_222 = arith.addi %mul3A_179, %add3A_221 : i32
      %swap3A_223 = arith.index_cast %add3A_222 : i32 to index
      %swap3A_224 = tpu.vector_load %arg5[%swap3A_223] {strides = array<i32>} : memref<25600xi32, #tpu.memory_space<vmem>>, vector<16xi32>,
      %swap3A_225 = vector.shape_cast %swap3A_224 : vector<16xi32> to vector<16xi32>
      %swap3A_226 = vector.shape_cast %min3A_220 : vector<16xi32> to vector<16xi32>
      tpu.vector_store %arg5[%swap3A_223], %swap3A_226 {strides = array<i32>} : memref<25600xi32, #tpu.memory_space<vmem>>, vector<16xi32>,
      %get3A_227 = arith.index_cast %scan3A_175 : i32 to index
      %get3A_228 = arith.constant 32 : index
      %get3A_229 = tpu.vector_load %arg7[%get3A_227, %get3A_228] {strides = array<i32>} : memref<128x128xf32, #tpu.memory_space<vmem>>, vector<1x16xf32>,
      %get3A_230 = vector.shape_cast %get3A_229 : vector<1x16xf32> to vector<16xf32>
      %mul3A_231 = arith.constant 2.000000e+00 : f32
      %mul3A_232 = vector.broadcast %mul3A_231 : f32 to vector<16xf32>
      %mul3A_233 = arith.mulf %get3A_230, %mul3A_232 : vector<16xf32>
      %add3A_234 = arith.constant 0x4B400000 : f32
      %add3A_235 = vector.broadcast %add3A_234 : f32 to vector<16xf32>
      %add3A_236 = arith.addf %mul3A_233, %add3A_235 : vector<16xf32>
      %sub3A_237 = arith.constant 0x4B400000 : f32
      %sub3A_238 = vector.broadcast %sub3A_237 : f32 to vector<16xf32>
      %sub3A_239 = arith.subf %add3A_236, %sub3A_238 : vector<16xf32>
      %convert_element_type3A_240 = arith.fptosi %sub3A_239 : vector<16xf32> to vector<16xi32>
      %max3A_241 = arith.constant 0 : i32
      %max3A_242 = vector.broadcast %max3A_241 : i32 to vector<16xi32>
      %max3A_243 = arith.maxsi %convert_element_type3A_240, %max3A_242 : vector<16xi32>
      %min3A_244 = arith.constant 259 : i32
      %min3A_245 = vector.broadcast %min3A_244 : i32 to vector<16xi32>
      %min3A_246 = arith.minsi %max3A_243, %min3A_245 : vector<16xi32>
      %add3A_247 = arith.constant 32 : i32
      %add3A_248 = arith.addi %mul3A_179, %add3A_247 : i32
      %swap3A_249 = arith.index_cast %add3A_248 : i32 to index
      %swap3A_250 = tpu.vector_load %arg5[%swap3A_249] {strides = array<i32>} : memref<25600xi32, #tpu.memory_space<vmem>>, vector<16xi32>,
      %swap3A_251 = vector.shape_cast %swap3A_250 : vector<16xi32> to vector<16xi32>
      %swap3A_252 = vector.shape_cast %min3A_246 : vector<16xi32> to vector<16xi32>
      tpu.vector_store %arg5[%swap3A_249], %swap3A_252 {strides = array<i32>} : memref<25600xi32, #tpu.memory_space<vmem>>, vector<16xi32>,
      %get3A_253 = arith.index_cast %scan3A_175 : i32 to index
      %get3A_254 = arith.constant 48 : index
      %get3A_255 = tpu.vector_load %arg7[%get3A_253, %get3A_254] {strides = array<i32>} : memref<128x128xf32, #tpu.memory_space<vmem>>, vector<1x16xf32>,
      %get3A_256 = vector.shape_cast %get3A_255 : vector<1x16xf32> to vector<16xf32>
      %mul3A_257 = arith.constant 2.000000e+00 : f32
      %mul3A_258 = vector.broadcast %mul3A_257 : f32 to vector<16xf32>
      %mul3A_259 = arith.mulf %get3A_256, %mul3A_258 : vector<16xf32>
      %add3A_260 = arith.constant 0x4B400000 : f32
      %add3A_261 = vector.broadcast %add3A_260 : f32 to vector<16xf32>
      %add3A_262 = arith.addf %mul3A_259, %add3A_261 : vector<16xf32>
      %sub3A_263 = arith.constant 0x4B400000 : f32
      %sub3A_264 = vector.broadcast %sub3A_263 : f32 to vector<16xf32>
      %sub3A_265 = arith.subf %add3A_262, %sub3A_264 : vector<16xf32>
      %convert_element_type3A_266 = arith.fptosi %sub3A_265 : vector<16xf32> to vector<16xi32>
      %max3A_267 = arith.constant 0 : i32
      %max3A_268 = vector.broadcast %max3A_267 : i32 to vector<16xi32>
      %max3A_269 = arith.maxsi %convert_element_type3A_266, %max3A_268 : vector<16xi32>
      %min3A_270 = arith.constant 259 : i32
      %min3A_271 = vector.broadcast %min3A_270 : i32 to vector<16xi32>
      %min3A_272 = arith.minsi %max3A_269, %min3A_271 : vector<16xi32>
      %add3A_273 = arith.constant 48 : i32
      %add3A_274 = arith.addi %mul3A_179, %add3A_273 : i32
      %swap3A_275 = arith.index_cast %add3A_274 : i32 to index
      %swap3A_276 = tpu.vector_load %arg5[%swap3A_275] {strides = array<i32>} : memref<25600xi32, #tpu.memory_space<vmem>>, vector<16xi32>,
      %swap3A_277 = vector.shape_cast %swap3A_276 : vector<16xi32> to vector<16xi32>
      %swap3A_278 = vector.shape_cast %min3A_272 : vector<16xi32> to vector<16xi32>
      tpu.vector_store %arg5[%swap3A_275], %swap3A_278 {strides = array<i32>} : memref<25600xi32, #tpu.memory_space<vmem>>, vector<16xi32>,
      %get3A_279 = arith.index_cast %scan3A_175 : i32 to index
      %get3A_280 = arith.constant 64 : index
      %get3A_281 = tpu.vector_load %arg7[%get3A_279, %get3A_280] {strides = array<i32>} : memref<128x128xf32, #tpu.memory_space<vmem>>, vector<1x16xf32>,
      %get3A_282 = vector.shape_cast %get3A_281 : vector<1x16xf32> to vector<16xf32>
      %mul3A_283 = arith.constant 2.000000e+00 : f32
      %mul3A_284 = vector.broadcast %mul3A_283 : f32 to vector<16xf32>
      %mul3A_285 = arith.mulf %get3A_282, %mul3A_284 : vector<16xf32>
      %add3A_286 = arith.constant 0x4B400000 : f32
      %add3A_287 = vector.broadcast %add3A_286 : f32 to vector<16xf32>
      %add3A_288 = arith.addf %mul3A_285, %add3A_287 : vector<16xf32>
      %sub3A_289 = arith.constant 0x4B400000 : f32
      %sub3A_290 = vector.broadcast %sub3A_289 : f32 to vector<16xf32>
      %sub3A_291 = arith.subf %add3A_288, %sub3A_290 : vector<16xf32>
      %convert_element_type3A_292 = arith.fptosi %sub3A_291 : vector<16xf32> to vector<16xi32>
      %max3A_293 = arith.constant 0 : i32
      %max3A_294 = vector.broadcast %max3A_293 : i32 to vector<16xi32>
      %max3A_295 = arith.maxsi %convert_element_type3A_292, %max3A_294 : vector<16xi32>
      %min3A_296 = arith.constant 259 : i32
      %min3A_297 = vector.broadcast %min3A_296 : i32 to vector<16xi32>
      %min3A_298 = arith.minsi %max3A_295, %min3A_297 : vector<16xi32>
      %add3A_299 = arith.constant 64 : i32
      %add3A_300 = arith.addi %mul3A_179, %add3A_299 : i32
      %swap3A_301 = arith.index_cast %add3A_300 : i32 to index
      %swap3A_302 = tpu.vector_load %arg5[%swap3A_301] {strides = array<i32>} : memref<25600xi32, #tpu.memory_space<vmem>>, vector<16xi32>,
      %swap3A_303 = vector.shape_cast %swap3A_302 : vector<16xi32> to vector<16xi32>
      %swap3A_304 = vector.shape_cast %min3A_298 : vector<16xi32> to vector<16xi32>
      tpu.vector_store %arg5[%swap3A_301], %swap3A_304 {strides = array<i32>} : memref<25600xi32, #tpu.memory_space<vmem>>, vector<16xi32>,
      %get3A_305 = arith.index_cast %scan3A_175 : i32 to index
      %get3A_306 = arith.constant 80 : index
      %get3A_307 = tpu.vector_load %arg7[%get3A_305, %get3A_306] {strides = array<i32>} : memref<128x128xf32, #tpu.memory_space<vmem>>, vector<1x16xf32>,
      %get3A_308 = vector.shape_cast %get3A_307 : vector<1x16xf32> to vector<16xf32>
      %mul3A_309 = arith.constant 2.000000e+00 : f32
      %mul3A_310 = vector.broadcast %mul3A_309 : f32 to vector<16xf32>
      %mul3A_311 = arith.mulf %get3A_308, %mul3A_310 : vector<16xf32>
      %add3A_312 = arith.constant 0x4B400000 : f32
      %add3A_313 = vector.broadcast %add3A_312 : f32 to vector<16xf32>
      %add3A_314 = arith.addf %mul3A_311, %add3A_313 : vector<16xf32>
      %sub3A_315 = arith.constant 0x4B400000 : f32
      %sub3A_316 = vector.broadcast %sub3A_315 : f32 to vector<16xf32>
      %sub3A_317 = arith.subf %add3A_314, %sub3A_316 : vector<16xf32>
      %convert_element_type3A_318 = arith.fptosi %sub3A_317 : vector<16xf32> to vector<16xi32>
      %max3A_319 = arith.constant 0 : i32
      %max3A_320 = vector.broadcast %max3A_319 : i32 to vector<16xi32>
      %max3A_321 = arith.maxsi %convert_element_type3A_318, %max3A_320 : vector<16xi32>
      %min3A_322 = arith.constant 259 : i32
      %min3A_323 = vector.broadcast %min3A_322 : i32 to vector<16xi32>
      %min3A_324 = arith.minsi %max3A_321, %min3A_323 : vector<16xi32>
      %add3A_325 = arith.constant 80 : i32
      %add3A_326 = arith.addi %mul3A_179, %add3A_325 : i32
      %swap3A_327 = arith.index_cast %add3A_326 : i32 to index
      %swap3A_328 = tpu.vector_load %arg5[%swap3A_327] {strides = array<i32>} : memref<25600xi32, #tpu.memory_space<vmem>>, vector<16xi32>,
      %swap3A_329 = vector.shape_cast %swap3A_328 : vector<16xi32> to vector<16xi32>
      %swap3A_330 = vector.shape_cast %min3A_324 : vector<16xi32> to vector<16xi32>
      tpu.vector_store %arg5[%swap3A_327], %swap3A_330 {strides = array<i32>} : memref<25600xi32, #tpu.memory_space<vmem>>, vector<16xi32>,
      %get3A_331 = arith.index_cast %scan3A_175 : i32 to index
      %get3A_332 = arith.constant 96 : index
      %get3A_333 = tpu.vector_load %arg7[%get3A_331, %get3A_332] {strides = array<i32>} : memref<128x128xf32, #tpu.memory_space<vmem>>, vector<1x16xf32>,
      %get3A_334 = vector.shape_cast %get3A_333 : vector<1x16xf32> to vector<16xf32>
      %mul3A_335 = arith.constant 2.000000e+00 : f32
      %mul3A_336 = vector.broadcast %mul3A_335 : f32 to vector<16xf32>
      %mul3A_337 = arith.mulf %get3A_334, %mul3A_336 : vector<16xf32>
      %add3A_338 = arith.constant 0x4B400000 : f32
      %add3A_339 = vector.broadcast %add3A_338 : f32 to vector<16xf32>
      %add3A_340 = arith.addf %mul3A_337, %add3A_339 : vector<16xf32>
      %sub3A_341 = arith.constant 0x4B400000 : f32
      %sub3A_342 = vector.broadcast %sub3A_341 : f32 to vector<16xf32>
      %sub3A_343 = arith.subf %add3A_340, %sub3A_342 : vector<16xf32>
      %convert_element_type3A_344 = arith.fptosi %sub3A_343 : vector<16xf32> to vector<16xi32>
      %max3A_345 = arith.constant 0 : i32
      %max3A_346 = vector.broadcast %max3A_345 : i32 to vector<16xi32>
      %max3A_347 = arith.maxsi %convert_element_type3A_344, %max3A_346 : vector<16xi32>
      %min3A_348 = arith.constant 259 : i32
      %min3A_349 = vector.broadcast %min3A_348 : i32 to vector<16xi32>
      %min3A_350 = arith.minsi %max3A_347, %min3A_349 : vector<16xi32>
      %add3A_351 = arith.constant 96 : i32
      %add3A_352 = arith.addi %mul3A_179, %add3A_351 : i32
      %swap3A_353 = arith.index_cast %add3A_352 : i32 to index
      %swap3A_354 = tpu.vector_load %arg5[%swap3A_353] {strides = array<i32>} : memref<25600xi32, #tpu.memory_space<vmem>>, vector<16xi32>,
      %swap3A_355 = vector.shape_cast %swap3A_354 : vector<16xi32> to vector<16xi32>
      %swap3A_356 = vector.shape_cast %min3A_350 : vector<16xi32> to vector<16xi32>
      tpu.vector_store %arg5[%swap3A_353], %swap3A_356 {strides = array<i32>} : memref<25600xi32, #tpu.memory_space<vmem>>, vector<16xi32>,
      %get3A_357 = arith.index_cast %scan3A_175 : i32 to index
      %get3A_358 = arith.constant 112 : index
      %get3A_359 = tpu.vector_load %arg7[%get3A_357, %get3A_358] {strides = array<i32>} : memref<128x128xf32, #tpu.memory_space<vmem>>, vector<1x16xf32>,
      %get3A_360 = vector.shape_cast %get3A_359 : vector<1x16xf32> to vector<16xf32>
      %mul3A_361 = arith.constant 2.000000e+00 : f32
      %mul3A_362 = vector.broadcast %mul3A_361 : f32 to vector<16xf32>
      %mul3A_363 = arith.mulf %get3A_360, %mul3A_362 : vector<16xf32>
      %add3A_364 = arith.constant 0x4B400000 : f32
      %add3A_365 = vector.broadcast %add3A_364 : f32 to vector<16xf32>
      %add3A_366 = arith.addf %mul3A_363, %add3A_365 : vector<16xf32>
      %sub3A_367 = arith.constant 0x4B400000 : f32
      %sub3A_368 = vector.broadcast %sub3A_367 : f32 to vector<16xf32>
      %sub3A_369 = arith.subf %add3A_366, %sub3A_368 : vector<16xf32>
      %convert_element_type3A_370 = arith.fptosi %sub3A_369 : vector<16xf32> to vector<16xi32>
      %max3A_371 = arith.constant 0 : i32
      %max3A_372 = vector.broadcast %max3A_371 : i32 to vector<16xi32>
      %max3A_373 = arith.maxsi %convert_element_type3A_370, %max3A_372 : vector<16xi32>
      %min3A_374 = arith.constant 259 : i32
      %min3A_375 = vector.broadcast %min3A_374 : i32 to vector<16xi32>
      %min3A_376 = arith.minsi %max3A_373, %min3A_375 : vector<16xi32>
      %add3A_377 = arith.constant 112 : i32
      %add3A_378 = arith.addi %mul3A_179, %add3A_377 : i32
      %swap3A_379 = arith.index_cast %add3A_378 : i32 to index
      %swap3A_380 = tpu.vector_load %arg5[%swap3A_379] {strides = array<i32>} : memref<25600xi32, #tpu.memory_space<vmem>>, vector<16xi32>,
      %swap3A_381 = vector.shape_cast %swap3A_380 : vector<16xi32> to vector<16xi32>
      %swap3A_382 = vector.shape_cast %min3A_376 : vector<16xi32> to vector<16xi32>
      tpu.vector_store %arg5[%swap3A_379], %swap3A_382 {strides = array<i32>} : memref<25600xi32, #tpu.memory_space<vmem>>, vector<16xi32>,
    }
    %scan3A_61 = arith.constant 96 : i32
    %eq3A_62 = arith.constant 0 : i32
    %eq3A_63 = arith.cmpi eq, %arg1, %eq3A_62 : i32
    %convert_element_type3A_64 = arith.extui %eq3A_63 : i1 to i32
    %cond3A_65 = arith.constant 0 : i32
    %cond3A_66 = arith.cmpi ne, %convert_element_type3A_64, %cond3A_65 : i32
    scf.if %cond3A_66 {
      tpu.wait_dma2 semaphore(%arg19 : memref<!tpu.dma_semaphore, #tpu.memory_space<semaphore_mem>>) src(%arg3 : memref<260x128xf32, #tpu.memory_space<hbm>>) dst(%arg10 : memref<260x128xf32, #tpu.memory_space<vmem_shared>>)
    } else {
    }
    %barrier3A = arith.constant 0 : index
    tpu.barrier barrier_id(%barrier3A)
    %multiple_of3A = arith.constant 0 : i32
    %multiple_of3A_67 = tpu.assume_multiple %multiple_of3A, 128 : i32
    %dma_start3A_68 = tpu.memref_slice %arg5[%multiple_of3A_67] : memref<25600xi32, #tpu.memory_space<vmem>> -> memref<128xi32, #tpu.memory_space<vmem>>
    %dma_start3A_69 = arith.constant 0 : i32
    %dma_start3A_70 = arith.constant 0 : i32
    %dma_start3A_71 = tpu.memref_slice %arg10[%dma_start3A_69, %dma_start3A_70] : memref<260x128xf32, #tpu.memory_space<vmem_shared>> -> memref<260x128xf32, #tpu.memory_space<vmem_shared>>
    tpu.enqueue_indirect_dma source(%dma_start3A_71 : memref<260x128xf32, #tpu.memory_space<vmem_shared>>) target(%arg6 : memref<128x128xf32, #tpu.memory_space<vmem>>) offsets(%dma_start3A_68 : memref<128xi32, #tpu.memory_space<vmem>>) semaphore(%arg11 : memref<!tpu.dma_semaphore, #tpu.memory_space<semaphore_mem>>)
    %multiple_of3A_72 = arith.constant 128 : i32
    %multiple_of3A_73 = tpu.assume_multiple %multiple_of3A_72, 128 : i32
    %dma_start3A_74 = tpu.memref_slice %arg5[%multiple_of3A_73] : memref<25600xi32, #tpu.memory_space<vmem>> -> memref<128xi32, #tpu.memory_space<vmem>>
    %dma_start3A_75 = arith.constant 0 : i32
    %dma_start3A_76 = arith.constant 0 : i32
    %dma_start3A_77 = tpu.memref_slice %arg10[%dma_start3A_75, %dma_start3A_76] : memref<260x128xf32, #tpu.memory_space<vmem_shared>> -> memref<260x128xf32, #tpu.memory_space<vmem_shared>>
    tpu.enqueue_indirect_dma source(%dma_start3A_77 : memref<260x128xf32, #tpu.memory_space<vmem_shared>>) target(%arg7 : memref<128x128xf32, #tpu.memory_space<vmem>>) offsets(%dma_start3A_74 : memref<128xi32, #tpu.memory_space<vmem>>) semaphore(%arg12 : memref<!tpu.dma_semaphore, #tpu.memory_space<semaphore_mem>>)
    %multiple_of3A_78 = arith.constant 0 : i32
    %multiple_of3A_79 = tpu.assume_multiple %multiple_of3A_78, 128 : i32
    %dma_wait3A_80 = tpu.memref_slice %arg5[%multiple_of3A_79] : memref<25600xi32, #tpu.memory_space<vmem>> -> memref<128xi32, #tpu.memory_space<vmem>>
    %dma_wait3A_81 = arith.constant 0 : i32
    %dma_wait3A_82 = arith.constant 0 : i32
    %dma_wait3A_83 = tpu.memref_slice %arg10[%dma_wait3A_81, %dma_wait3A_82] : memref<260x128xf32, #tpu.memory_space<vmem_shared>> -> memref<260x128xf32, #tpu.memory_space<vmem_shared>>
    tpu.wait_indirect_dma semaphore(%arg11 : memref<!tpu.dma_semaphore, #tpu.memory_space<semaphore_mem>>) src(%dma_wait3A_83 : memref<260x128xf32, #tpu.memory_space<vmem_shared>>) dst(%arg6 : memref<128x128xf32, #tpu.memory_space<vmem>>)
    %add3A_84 = arith.constant 0 : i32
    %add3A_85 = arith.addi %mul3A_2, %add3A_84 : i32
    %multiple_of3A_86 = tpu.assume_multiple %add3A_85, 128 : i32
    %dma_start3A_87 = arith.constant 0 : i32
    %dma_start3A_88 = tpu.memref_slice %arg4[%multiple_of3A_86, %dma_start3A_87] : memref<819200x128xf32, #tpu.memory_space<hbm>> -> memref<128x128xf32, #tpu.memory_space<hbm>>
    %dma_start3A_89 = arith.constant 0 : i32
    %dma_start3A_90 = tpu.memref_slice %arg4[%multiple_of3A_86, %dma_start3A_89] : memref<819200x128xf32, #tpu.memory_space<hbm>> -> memref<128x128xf32, #tpu.memory_space<hbm>>
    tpu.enqueue_dma source(%arg6 : memref<128x128xf32, #tpu.memory_space<vmem>>) target(%dma_start3A_90 : memref<128x128xf32, #tpu.memory_space<hbm>>) target_semaphore(%arg15 : memref<!tpu.dma_semaphore, #tpu.memory_space<semaphore_mem>>)
    %multiple_of3A_91 = arith.constant 256 : i32
    %multiple_of3A_92 = tpu.assume_multiple %multiple_of3A_91, 128 : i32
    %dma_start3A_93 = tpu.memref_slice %arg5[%multiple_of3A_92] : memref<25600xi32, #tpu.memory_space<vmem>> -> memref<128xi32, #tpu.memory_space<vmem>>
    %dma_start3A_94 = arith.constant 0 : i32
    %dma_start3A_95 = arith.constant 0 : i32
    %dma_start3A_96 = tpu.memref_slice %arg10[%dma_start3A_94, %dma_start3A_95] : memref<260x128xf32, #tpu.memory_space<vmem_shared>> -> memref<260x128xf32, #tpu.memory_space<vmem_shared>>
    tpu.enqueue_indirect_dma source(%dma_start3A_96 : memref<260x128xf32, #tpu.memory_space<vmem_shared>>) target(%arg8 : memref<128x128xf32, #tpu.memory_space<vmem>>) offsets(%dma_start3A_93 : memref<128xi32, #tpu.memory_space<vmem>>) semaphore(%arg13 : memref<!tpu.dma_semaphore, #tpu.memory_space<semaphore_mem>>)
    %multiple_of3A_97 = arith.constant 128 : i32
    %multiple_of3A_98 = tpu.assume_multiple %multiple_of3A_97, 128 : i32
    %dma_wait3A_99 = tpu.memref_slice %arg5[%multiple_of3A_98] : memref<25600xi32, #tpu.memory_space<vmem>> -> memref<128xi32, #tpu.memory_space<vmem>>
    %dma_wait3A_100 = arith.constant 0 : i32
    %dma_wait3A_101 = arith.constant 0 : i32
    %dma_wait3A_102 = tpu.memref_slice %arg10[%dma_wait3A_100, %dma_wait3A_101] : memref<260x128xf32, #tpu.memory_space<vmem_shared>> -> memref<260x128xf32, #tpu.memory_space<vmem_shared>>
    tpu.wait_indirect_dma semaphore(%arg12 : memref<!tpu.dma_semaphore, #tpu.memory_space<semaphore_mem>>) src(%dma_wait3A_102 : memref<260x128xf32, #tpu.memory_space<vmem_shared>>) dst(%arg7 : memref<128x128xf32, #tpu.memory_space<vmem>>)
    %add3A_103 = arith.constant 128 : i32
    %add3A_104 = arith.addi %mul3A_2, %add3A_103 : i32
    %multiple_of3A_105 = tpu.assume_multiple %add3A_104, 128 : i32
    %dma_start3A_106 = arith.constant 0 : i32
    %dma_start3A_107 = tpu.memref_slice %arg4[%multiple_of3A_105, %dma_start3A_106] : memref<819200x128xf32, #tpu.memory_space<hbm>> -> memref<128x128xf32, #tpu.memory_space<hbm>>
    %dma_start3A_108 = arith.constant 0 : i32
    %dma_start3A_109 = tpu.memref_slice %arg4[%multiple_of3A_105, %dma_start3A_108] : memref<819200x128xf32, #tpu.memory_space<hbm>> -> memref<128x128xf32, #tpu.memory_space<hbm>>
    tpu.enqueue_dma source(%arg7 : memref<128x128xf32, #tpu.memory_space<vmem>>) target(%dma_start3A_109 : memref<128x128xf32, #tpu.memory_space<hbm>>) target_semaphore(%arg16 : memref<!tpu.dma_semaphore, #tpu.memory_space<semaphore_mem>>)
    %multiple_of3A_110 = arith.constant 384 : i32
    %multiple_of3A_111 = tpu.assume_multiple %multiple_of3A_110, 128 : i32
    %dma_start3A_112 = tpu.memref_slice %arg5[%multiple_of3A_111] : memref<25600xi32, #tpu.memory_space<vmem>> -> memref<128xi32, #tpu.memory_space<vmem>>
    %dma_start3A_113 = arith.constant 0 : i32
    %dma_start3A_114 = arith.constant 0 : i32
    %dma_start3A_115 = tpu.memref_slice %arg10[%dma_start3A_113, %dma_start3A_114] : memref<260x128xf32, #tpu.memory_space<vmem_shared>> -> memref<260x128xf32, #tpu.memory_space<vmem_shared>>
    tpu.enqueue_indirect_dma source(%dma_start3A_115 : memref<260x128xf32, #tpu.memory_space<vmem_shared>>) target(%arg9 : memref<128x128xf32, #tpu.memory_space<vmem>>) offsets(%dma_start3A_112 : memref<128xi32, #tpu.memory_space<vmem>>) semaphore(%arg14 : memref<!tpu.dma_semaphore, #tpu.memory_space<semaphore_mem>>)
    %scan3A_116 = arith.constant 0 : i32
    %scan3A_117 = arith.constant 49 : i32
    %scan3A_118 = arith.addi %scan3A_116, %scan3A_117 : i32
    %scan3A_119 = arith.constant 1 : i32
    scf.for %scan3A_175 = %scan3A_116 to %scan3A_118 step %scan3A_119  : i32 {
      %mul3A_176 = arith.constant 4 : i32
      %mul3A_177 = arith.muli %mul3A_176, %scan3A_175 : i32
      %add3A_178 = arith.constant 2 : i32
      %add3A_179 = arith.addi %mul3A_177, %add3A_178 : i32
      %add3A_180 = arith.constant 0 : i32
      %add3A_181 = arith.addi %add3A_179, %add3A_180 : i32
      %mul3A_182 = arith.constant 128 : i32
      %mul3A_183 = arith.muli %add3A_181, %mul3A_182 : i32
      %multiple_of3A_184 = tpu.assume_multiple %mul3A_183, 128 : i32
      %dma_wait3A_185 = tpu.memref_slice %arg5[%multiple_of3A_184] : memref<25600xi32, #tpu.memory_space<vmem>> -> memref<128xi32, #tpu.memory_space<vmem>>
      %dma_wait3A_186 = arith.constant 0 : i32
      %dma_wait3A_187 = arith.constant 0 : i32
      %dma_wait3A_188 = tpu.memref_slice %arg10[%dma_wait3A_186, %dma_wait3A_187] : memref<260x128xf32, #tpu.memory_space<vmem_shared>> -> memref<260x128xf32, #tpu.memory_space<vmem_shared>>
      tpu.wait_indirect_dma semaphore(%arg13 : memref<!tpu.dma_semaphore, #tpu.memory_space<semaphore_mem>>) src(%dma_wait3A_188 : memref<260x128xf32, #tpu.memory_space<vmem_shared>>) dst(%arg8 : memref<128x128xf32, #tpu.memory_space<vmem>>)
      %mul3A_189 = arith.constant 128 : i32
      %mul3A_190 = arith.muli %add3A_181, %mul3A_189 : i32
      %add3A_191 = arith.addi %mul3A_2, %mul3A_190 : i32
      %multiple_of3A_192 = tpu.assume_multiple %add3A_191, 128 : i32
      %dma_start3A_193 = arith.constant 0 : i32
      %dma_start3A_194 = tpu.memref_slice %arg4[%multiple_of3A_192, %dma_start3A_193] : memref<819200x128xf32, #tpu.memory_space<hbm>> -> memref<128x128xf32, #tpu.memory_space<hbm>>
      %dma_start3A_195 = arith.constant 0 : i32
      %dma_start3A_196 = tpu.memref_slice %arg4[%multiple_of3A_192, %dma_start3A_195] : memref<819200x128xf32, #tpu.memory_space<hbm>> -> memref<128x128xf32, #tpu.memory_space<hbm>>
      tpu.enqueue_dma source(%arg8 : memref<128x128xf32, #tpu.memory_space<vmem>>) target(%dma_start3A_196 : memref<128x128xf32, #tpu.memory_space<hbm>>) target_semaphore(%arg17 : memref<!tpu.dma_semaphore, #tpu.memory_space<semaphore_mem>>)
      %sub3A = arith.constant 2 : i32
      %sub3A_197 = arith.subi %add3A_181, %sub3A : i32
      %mul3A_198 = arith.constant 128 : i32
      %mul3A_199 = arith.muli %sub3A_197, %mul3A_198 : i32
      %add3A_200 = arith.addi %mul3A_2, %mul3A_199 : i32
      %multiple_of3A_201 = tpu.assume_multiple %add3A_200, 128 : i32
      %dma_wait3A_202 = arith.constant 0 : i32
      %dma_wait3A_203 = tpu.memref_slice %arg4[%multiple_of3A_201, %dma_wait3A_202] : memref<819200x128xf32, #tpu.memory_space<hbm>> -> memref<128x128xf32, #tpu.memory_space<hbm>>
      %dma_wait3A_204 = arith.constant 0 : i32
      %dma_wait3A_205 = tpu.memref_slice %arg4[%multiple_of3A_201, %dma_wait3A_204] : memref<819200x128xf32, #tpu.memory_space<hbm>> -> memref<128x128xf32, #tpu.memory_space<hbm>>
      tpu.wait_dma2 semaphore(%arg15 : memref<!tpu.dma_semaphore, #tpu.memory_space<semaphore_mem>>) src(%arg6 : memref<128x128xf32, #tpu.memory_space<vmem>>) dst(%dma_wait3A_205 : memref<128x128xf32, #tpu.memory_space<hbm>>)
      %add3A_206 = arith.constant 2 : i32
      %add3A_207 = arith.addi %add3A_181, %add3A_206 : i32
      %mul3A_208 = arith.constant 128 : i32
      %mul3A_209 = arith.muli %add3A_207, %mul3A_208 : i32
      %multiple_of3A_210 = tpu.assume_multiple %mul3A_209, 128 : i32
      %dma_start3A_211 = tpu.memref_slice %arg5[%multiple_of3A_210] : memref<25600xi32, #tpu.memory_space<vmem>> -> memref<128xi32, #tpu.memory_space<vmem>>
      %dma_start3A_212 = arith.constant 0 : i32
      %dma_start3A_213 = arith.constant 0 : i32
      %dma_start3A_214 = tpu.memref_slice %arg10[%dma_start3A_212, %dma_start3A_213] : memref<260x128xf32, #tpu.memory_space<vmem_shared>> -> memref<260x128xf32, #tpu.memory_space<vmem_shared>>
      tpu.enqueue_indirect_dma source(%dma_start3A_214 : memref<260x128xf32, #tpu.memory_space<vmem_shared>>) target(%arg6 : memref<128x128xf32, #tpu.memory_space<vmem>>) offsets(%dma_start3A_211 : memref<128xi32, #tpu.memory_space<vmem>>) semaphore(%arg11 : memref<!tpu.dma_semaphore, #tpu.memory_space<semaphore_mem>>)
      %mul3A_215 = arith.constant 4 : i32
      %mul3A_216 = arith.muli %mul3A_215, %scan3A_175 : i32
      %add3A_217 = arith.constant 2 : i32
      %add3A_218 = arith.addi %mul3A_216, %add3A_217 : i32
      %add3A_219 = arith.constant 1 : i32
      %add3A_220 = arith.addi %add3A_218, %add3A_219 : i32
      %mul3A_221 = arith.constant 128 : i32
      %mul3A_222 = arith.muli %add3A_220, %mul3A_221 : i32
      %multiple_of3A_223 = tpu.assume_multiple %mul3A_222, 128 : i32
      %dma_wait3A_224 = tpu.memref_slice %arg5[%multiple_of3A_223] : memref<25600xi32, #tpu.memory_space<vmem>> -> memref<128xi32, #tpu.memory_space<vmem>>
      %dma_wait3A_225 = arith.constant 0 : i32
      %dma_wait3A_226 = arith.constant 0 : i32
      %dma_wait3A_227 = tpu.memref_slice %arg10[%dma_wait3A_225, %dma_wait3A_226] : memref<260x128xf32, #tpu.memory_space<vmem_shared>> -> memref<260x128xf32, #tpu.memory_space<vmem_shared>>
      tpu.wait_indirect_dma semaphore(%arg14 : memref<!tpu.dma_semaphore, #tpu.memory_space<semaphore_mem>>) src(%dma_wait3A_227 : memref<260x128xf32, #tpu.memory_space<vmem_shared>>) dst(%arg9 : memref<128x128xf32, #tpu.memory_space<vmem>>)
      %mul3A_228 = arith.constant 128 : i32
      %mul3A_229 = arith.muli %add3A_220, %mul3A_228 : i32
      %add3A_230 = arith.addi %mul3A_2, %mul3A_229 : i32
      %multiple_of3A_231 = tpu.assume_multiple %add3A_230, 128 : i32
      %dma_start3A_232 = arith.constant 0 : i32
      %dma_start3A_233 = tpu.memref_slice %arg4[%multiple_of3A_231, %dma_start3A_232] : memref<819200x128xf32, #tpu.memory_space<hbm>> -> memref<128x128xf32, #tpu.memory_space<hbm>>
      %dma_start3A_234 = arith.constant 0 : i32
      %dma_start3A_235 = tpu.memref_slice %arg4[%multiple_of3A_231, %dma_start3A_234] : memref<819200x128xf32, #tpu.memory_space<hbm>> -> memref<128x128xf32, #tpu.memory_space<hbm>>
      tpu.enqueue_dma source(%arg9 : memref<128x128xf32, #tpu.memory_space<vmem>>) target(%dma_start3A_235 : memref<128x128xf32, #tpu.memory_space<hbm>>) target_semaphore(%arg18 : memref<!tpu.dma_semaphore, #tpu.memory_space<semaphore_mem>>)
      %sub3A_236 = arith.constant 2 : i32
      %sub3A_237 = arith.subi %add3A_220, %sub3A_236 : i32
      %mul3A_238 = arith.constant 128 : i32
      %mul3A_239 = arith.muli %sub3A_237, %mul3A_238 : i32
      %add3A_240 = arith.addi %mul3A_2, %mul3A_239 : i32
      %multiple_of3A_241 = tpu.assume_multiple %add3A_240, 128 : i32
      %dma_wait3A_242 = arith.constant 0 : i32
      %dma_wait3A_243 = tpu.memref_slice %arg4[%multiple_of3A_241, %dma_wait3A_242] : memref<819200x128xf32, #tpu.memory_space<hbm>> -> memref<128x128xf32, #tpu.memory_space<hbm>>
      %dma_wait3A_244 = arith.constant 0 : i32
      %dma_wait3A_245 = tpu.memref_slice %arg4[%multiple_of3A_241, %dma_wait3A_244] : memref<819200x128xf32, #tpu.memory_space<hbm>> -> memref<128x128xf32, #tpu.memory_space<hbm>>
      tpu.wait_dma2 semaphore(%arg16 : memref<!tpu.dma_semaphore, #tpu.memory_space<semaphore_mem>>) src(%arg7 : memref<128x128xf32, #tpu.memory_space<vmem>>) dst(%dma_wait3A_245 : memref<128x128xf32, #tpu.memory_space<hbm>>)
      %add3A_246 = arith.constant 2 : i32
      %add3A_247 = arith.addi %add3A_220, %add3A_246 : i32
      %mul3A_248 = arith.constant 128 : i32
      %mul3A_249 = arith.muli %add3A_247, %mul3A_248 : i32
      %multiple_of3A_250 = tpu.assume_multiple %mul3A_249, 128 : i32
      %dma_start3A_251 = tpu.memref_slice %arg5[%multiple_of3A_250] : memref<25600xi32, #tpu.memory_space<vmem>> -> memref<128xi32, #tpu.memory_space<vmem>>
      %dma_start3A_252 = arith.constant 0 : i32
      %dma_start3A_253 = arith.constant 0 : i32
      %dma_start3A_254 = tpu.memref_slice %arg10[%dma_start3A_252, %dma_start3A_253] : memref<260x128xf32, #tpu.memory_space<vmem_shared>> -> memref<260x128xf32, #tpu.memory_space<vmem_shared>>
      tpu.enqueue_indirect_dma source(%dma_start3A_254 : memref<260x128xf32, #tpu.memory_space<vmem_shared>>) target(%arg7 : memref<128x128xf32, #tpu.memory_space<vmem>>) offsets(%dma_start3A_251 : memref<128xi32, #tpu.memory_space<vmem>>) semaphore(%arg12 : memref<!tpu.dma_semaphore, #tpu.memory_space<semaphore_mem>>)
      %mul3A_255 = arith.constant 4 : i32
      %mul3A_256 = arith.muli %mul3A_255, %scan3A_175 : i32
      %add3A_257 = arith.constant 2 : i32
      %add3A_258 = arith.addi %mul3A_256, %add3A_257 : i32
      %add3A_259 = arith.constant 2 : i32
      %add3A_260 = arith.addi %add3A_258, %add3A_259 : i32
      %mul3A_261 = arith.constant 128 : i32
      %mul3A_262 = arith.muli %add3A_260, %mul3A_261 : i32
      %multiple_of3A_263 = tpu.assume_multiple %mul3A_262, 128 : i32
      %dma_wait3A_264 = tpu.memref_slice %arg5[%multiple_of3A_263] : memref<25600xi32, #tpu.memory_space<vmem>> -> memref<128xi32, #tpu.memory_space<vmem>>
      %dma_wait3A_265 = arith.constant 0 : i32
      %dma_wait3A_266 = arith.constant 0 : i32
      %dma_wait3A_267 = tpu.memref_slice %arg10[%dma_wait3A_265, %dma_wait3A_266] : memref<260x128xf32, #tpu.memory_space<vmem_shared>> -> memref<260x128xf32, #tpu.memory_space<vmem_shared>>
      tpu.wait_indirect_dma semaphore(%arg11 : memref<!tpu.dma_semaphore, #tpu.memory_space<semaphore_mem>>) src(%dma_wait3A_267 : memref<260x128xf32, #tpu.memory_space<vmem_shared>>) dst(%arg6 : memref<128x128xf32, #tpu.memory_space<vmem>>)
      %mul3A_268 = arith.constant 128 : i32
      %mul3A_269 = arith.muli %add3A_260, %mul3A_268 : i32
      %add3A_270 = arith.addi %mul3A_2, %mul3A_269 : i32
      %multiple_of3A_271 = tpu.assume_multiple %add3A_270, 128 : i32
      %dma_start3A_272 = arith.constant 0 : i32
      %dma_start3A_273 = tpu.memref_slice %arg4[%multiple_of3A_271, %dma_start3A_272] : memref<819200x128xf32, #tpu.memory_space<hbm>> -> memref<128x128xf32, #tpu.memory_space<hbm>>
      %dma_start3A_274 = arith.constant 0 : i32
      %dma_start3A_275 = tpu.memref_slice %arg4[%multiple_of3A_271, %dma_start3A_274] : memref<819200x128xf32, #tpu.memory_space<hbm>> -> memref<128x128xf32, #tpu.memory_space<hbm>>
      tpu.enqueue_dma source(%arg6 : memref<128x128xf32, #tpu.memory_space<vmem>>) target(%dma_start3A_275 : memref<128x128xf32, #tpu.memory_space<hbm>>) target_semaphore(%arg15 : memref<!tpu.dma_semaphore, #tpu.memory_space<semaphore_mem>>)
      %sub3A_276 = arith.constant 2 : i32
      %sub3A_277 = arith.subi %add3A_260, %sub3A_276 : i32
      %mul3A_278 = arith.constant 128 : i32
      %mul3A_279 = arith.muli %sub3A_277, %mul3A_278 : i32
      %add3A_280 = arith.addi %mul3A_2, %mul3A_279 : i32
      %multiple_of3A_281 = tpu.assume_multiple %add3A_280, 128 : i32
      %dma_wait3A_282 = arith.constant 0 : i32
      %dma_wait3A_283 = tpu.memref_slice %arg4[%multiple_of3A_281, %dma_wait3A_282] : memref<819200x128xf32, #tpu.memory_space<hbm>> -> memref<128x128xf32, #tpu.memory_space<hbm>>
      %dma_wait3A_284 = arith.constant 0 : i32
      %dma_wait3A_285 = tpu.memref_slice %arg4[%multiple_of3A_281, %dma_wait3A_284] : memref<819200x128xf32, #tpu.memory_space<hbm>> -> memref<128x128xf32, #tpu.memory_space<hbm>>
      tpu.wait_dma2 semaphore(%arg17 : memref<!tpu.dma_semaphore, #tpu.memory_space<semaphore_mem>>) src(%arg8 : memref<128x128xf32, #tpu.memory_space<vmem>>) dst(%dma_wait3A_285 : memref<128x128xf32, #tpu.memory_space<hbm>>)
      %add3A_286 = arith.constant 2 : i32
      %add3A_287 = arith.addi %add3A_260, %add3A_286 : i32
      %mul3A_288 = arith.constant 128 : i32
      %mul3A_289 = arith.muli %add3A_287, %mul3A_288 : i32
      %multiple_of3A_290 = tpu.assume_multiple %mul3A_289, 128 : i32
      %dma_start3A_291 = tpu.memref_slice %arg5[%multiple_of3A_290] : memref<25600xi32, #tpu.memory_space<vmem>> -> memref<128xi32, #tpu.memory_space<vmem>>
      %dma_start3A_292 = arith.constant 0 : i32
      %dma_start3A_293 = arith.constant 0 : i32
      %dma_start3A_294 = tpu.memref_slice %arg10[%dma_start3A_292, %dma_start3A_293] : memref<260x128xf32, #tpu.memory_space<vmem_shared>> -> memref<260x128xf32, #tpu.memory_space<vmem_shared>>
      tpu.enqueue_indirect_dma source(%dma_start3A_294 : memref<260x128xf32, #tpu.memory_space<vmem_shared>>) target(%arg8 : memref<128x128xf32, #tpu.memory_space<vmem>>) offsets(%dma_start3A_291 : memref<128xi32, #tpu.memory_space<vmem>>) semaphore(%arg13 : memref<!tpu.dma_semaphore, #tpu.memory_space<semaphore_mem>>)
      %mul3A_295 = arith.constant 4 : i32
      %mul3A_296 = arith.muli %mul3A_295, %scan3A_175 : i32
      %add3A_297 = arith.constant 2 : i32
      %add3A_298 = arith.addi %mul3A_296, %add3A_297 : i32
      %add3A_299 = arith.constant 3 : i32
      %add3A_300 = arith.addi %add3A_298, %add3A_299 : i32
      %mul3A_301 = arith.constant 128 : i32
      %mul3A_302 = arith.muli %add3A_300, %mul3A_301 : i32
      %multiple_of3A_303 = tpu.assume_multiple %mul3A_302, 128 : i32
      %dma_wait3A_304 = tpu.memref_slice %arg5[%multiple_of3A_303] : memref<25600xi32, #tpu.memory_space<vmem>> -> memref<128xi32, #tpu.memory_space<vmem>>
      %dma_wait3A_305 = arith.constant 0 : i32
      %dma_wait3A_306 = arith.constant 0 : i32
      %dma_wait3A_307 = tpu.memref_slice %arg10[%dma_wait3A_305, %dma_wait3A_306] : memref<260x128xf32, #tpu.memory_space<vmem_shared>> -> memref<260x128xf32, #tpu.memory_space<vmem_shared>>
      tpu.wait_indirect_dma semaphore(%arg12 : memref<!tpu.dma_semaphore, #tpu.memory_space<semaphore_mem>>) src(%dma_wait3A_307 : memref<260x128xf32, #tpu.memory_space<vmem_shared>>) dst(%arg7 : memref<128x128xf32, #tpu.memory_space<vmem>>)
      %mul3A_308 = arith.constant 128 : i32
      %mul3A_309 = arith.muli %add3A_300, %mul3A_308 : i32
      %add3A_310 = arith.addi %mul3A_2, %mul3A_309 : i32
      %multiple_of3A_311 = tpu.assume_multiple %add3A_310, 128 : i32
      %dma_start3A_312 = arith.constant 0 : i32
      %dma_start3A_313 = tpu.memref_slice %arg4[%multiple_of3A_311, %dma_start3A_312] : memref<819200x128xf32, #tpu.memory_space<hbm>> -> memref<128x128xf32, #tpu.memory_space<hbm>>
      %dma_start3A_314 = arith.constant 0 : i32
      %dma_start3A_315 = tpu.memref_slice %arg4[%multiple_of3A_311, %dma_start3A_314] : memref<819200x128xf32, #tpu.memory_space<hbm>> -> memref<128x128xf32, #tpu.memory_space<hbm>>
      tpu.enqueue_dma source(%arg7 : memref<128x128xf32, #tpu.memory_space<vmem>>) target(%dma_start3A_315 : memref<128x128xf32, #tpu.memory_space<hbm>>) target_semaphore(%arg16 : memref<!tpu.dma_semaphore, #tpu.memory_space<semaphore_mem>>)
      %sub3A_316 = arith.constant 2 : i32
      %sub3A_317 = arith.subi %add3A_300, %sub3A_316 : i32
      %mul3A_318 = arith.constant 128 : i32
      %mul3A_319 = arith.muli %sub3A_317, %mul3A_318 : i32
      %add3A_320 = arith.addi %mul3A_2, %mul3A_319 : i32
      %multiple_of3A_321 = tpu.assume_multiple %add3A_320, 128 : i32
      %dma_wait3A_322 = arith.constant 0 : i32
      %dma_wait3A_323 = tpu.memref_slice %arg4[%multiple_of3A_321, %dma_wait3A_322] : memref<819200x128xf32, #tpu.memory_space<hbm>> -> memref<128x128xf32, #tpu.memory_space<hbm>>
      %dma_wait3A_324 = arith.constant 0 : i32
      %dma_wait3A_325 = tpu.memref_slice %arg4[%multiple_of3A_321, %dma_wait3A_324] : memref<819200x128xf32, #tpu.memory_space<hbm>> -> memref<128x128xf32, #tpu.memory_space<hbm>>
      tpu.wait_dma2 semaphore(%arg18 : memref<!tpu.dma_semaphore, #tpu.memory_space<semaphore_mem>>) src(%arg9 : memref<128x128xf32, #tpu.memory_space<vmem>>) dst(%dma_wait3A_325 : memref<128x128xf32, #tpu.memory_space<hbm>>)
      %add3A_326 = arith.constant 2 : i32
      %add3A_327 = arith.addi %add3A_300, %add3A_326 : i32
      %mul3A_328 = arith.constant 128 : i32
      %mul3A_329 = arith.muli %add3A_327, %mul3A_328 : i32
      %multiple_of3A_330 = tpu.assume_multiple %mul3A_329, 128 : i32
      %dma_start3A_331 = tpu.memref_slice %arg5[%multiple_of3A_330] : memref<25600xi32, #tpu.memory_space<vmem>> -> memref<128xi32, #tpu.memory_space<vmem>>
      %dma_start3A_332 = arith.constant 0 : i32
      %dma_start3A_333 = arith.constant 0 : i32
      %dma_start3A_334 = tpu.memref_slice %arg10[%dma_start3A_332, %dma_start3A_333] : memref<260x128xf32, #tpu.memory_space<vmem_shared>> -> memref<260x128xf32, #tpu.memory_space<vmem_shared>>
      tpu.enqueue_indirect_dma source(%dma_start3A_334 : memref<260x128xf32, #tpu.memory_space<vmem_shared>>) target(%arg9 : memref<128x128xf32, #tpu.memory_space<vmem>>) offsets(%dma_start3A_331 : memref<128xi32, #tpu.memory_space<vmem>>) semaphore(%arg14 : memref<!tpu.dma_semaphore, #tpu.memory_space<semaphore_mem>>)
    }
    %scan3A_120 = arith.constant 49 : i32
    %multiple_of3A_121 = arith.constant 25344 : i32
    %multiple_of3A_122 = tpu.assume_multiple %multiple_of3A_121, 128 : i32
    %dma_wait3A_123 = tpu.memref_slice %arg5[%multiple_of3A_122] : memref<25600xi32, #tpu.memory_space<vmem>> -> memref<128xi32, #tpu.memory_space<vmem>>
    %dma_wait3A_124 = arith.constant 0 : i32
    %dma_wait3A_125 = arith.constant 0 : i32
    %dma_wait3A_126 = tpu.memref_slice %arg10[%dma_wait3A_124, %dma_wait3A_125] : memref<260x128xf32, #tpu.memory_space<vmem_shared>> -> memref<260x128xf32, #tpu.memory_space<vmem_shared>>
    tpu.wait_indirect_dma semaphore(%arg13 : memref<!tpu.dma_semaphore, #tpu.memory_space<semaphore_mem>>) src(%dma_wait3A_126 : memref<260x128xf32, #tpu.memory_space<vmem_shared>>) dst(%arg8 : memref<128x128xf32, #tpu.memory_space<vmem>>)
    %add3A_127 = arith.constant 25344 : i32
    %add3A_128 = arith.addi %mul3A_2, %add3A_127 : i32
    %multiple_of3A_129 = tpu.assume_multiple %add3A_128, 128 : i32
    %dma_start3A_130 = arith.constant 0 : i32
    %dma_start3A_131 = tpu.memref_slice %arg4[%multiple_of3A_129, %dma_start3A_130] : memref<819200x128xf32, #tpu.memory_space<hbm>> -> memref<128x128xf32, #tpu.memory_space<hbm>>
    %dma_start3A_132 = arith.constant 0 : i32
    %dma_start3A_133 = tpu.memref_slice %arg4[%multiple_of3A_129, %dma_start3A_132] : memref<819200x128xf32, #tpu.memory_space<hbm>> -> memref<128x128xf32, #tpu.memory_space<hbm>>
    tpu.enqueue_dma source(%arg8 : memref<128x128xf32, #tpu.memory_space<vmem>>) target(%dma_start3A_133 : memref<128x128xf32, #tpu.memory_space<hbm>>) target_semaphore(%arg17 : memref<!tpu.dma_semaphore, #tpu.memory_space<semaphore_mem>>)
    %add3A_134 = arith.constant 25088 : i32
    %add3A_135 = arith.addi %mul3A_2, %add3A_134 : i32
    %multiple_of3A_136 = tpu.assume_multiple %add3A_135, 128 : i32
    %dma_wait3A_137 = arith.constant 0 : i32
    %dma_wait3A_138 = tpu.memref_slice %arg4[%multiple_of3A_136, %dma_wait3A_137] : memref<819200x128xf32, #tpu.memory_space<hbm>> -> memref<128x128xf32, #tpu.memory_space<hbm>>
    %dma_wait3A_139 = arith.constant 0 : i32
    %dma_wait3A_140 = tpu.memref_slice %arg4[%multiple_of3A_136, %dma_wait3A_139] : memref<819200x128xf32, #tpu.memory_space<hbm>> -> memref<128x128xf32, #tpu.memory_space<hbm>>
    tpu.wait_dma2 semaphore(%arg15 : memref<!tpu.dma_semaphore, #tpu.memory_space<semaphore_mem>>) src(%arg6 : memref<128x128xf32, #tpu.memory_space<vmem>>) dst(%dma_wait3A_140 : memref<128x128xf32, #tpu.memory_space<hbm>>)
    %multiple_of3A_141 = arith.constant 25472 : i32
    %multiple_of3A_142 = tpu.assume_multiple %multiple_of3A_141, 128 : i32
    %dma_wait3A_143 = tpu.memref_slice %arg5[%multiple_of3A_142] : memref<25600xi32, #tpu.memory_space<vmem>> -> memref<128xi32, #tpu.memory_space<vmem>>
    %dma_wait3A_144 = arith.constant 0 : i32
    %dma_wait3A_145 = arith.constant 0 : i32
    %dma_wait3A_146 = tpu.memref_slice %arg10[%dma_wait3A_144, %dma_wait3A_145] : memref<260x128xf32, #tpu.memory_space<vmem_shared>> -> memref<260x128xf32, #tpu.memory_space<vmem_shared>>
    tpu.wait_indirect_dma semaphore(%arg14 : memref<!tpu.dma_semaphore, #tpu.memory_space<semaphore_mem>>) src(%dma_wait3A_146 : memref<260x128xf32, #tpu.memory_space<vmem_shared>>) dst(%arg9 : memref<128x128xf32, #tpu.memory_space<vmem>>)
    %add3A_147 = arith.constant 25472 : i32
    %add3A_148 = arith.addi %mul3A_2, %add3A_147 : i32
    %multiple_of3A_149 = tpu.assume_multiple %add3A_148, 128 : i32
    %dma_start3A_150 = arith.constant 0 : i32
    %dma_start3A_151 = tpu.memref_slice %arg4[%multiple_of3A_149, %dma_start3A_150] : memref<819200x128xf32, #tpu.memory_space<hbm>> -> memref<128x128xf32, #tpu.memory_space<hbm>>
    %dma_start3A_152 = arith.constant 0 : i32
    %dma_start3A_153 = tpu.memref_slice %arg4[%multiple_of3A_149, %dma_start3A_152] : memref<819200x128xf32, #tpu.memory_space<hbm>> -> memref<128x128xf32, #tpu.memory_space<hbm>>
    tpu.enqueue_dma source(%arg9 : memref<128x128xf32, #tpu.memory_space<vmem>>) target(%dma_start3A_153 : memref<128x128xf32, #tpu.memory_space<hbm>>) target_semaphore(%arg18 : memref<!tpu.dma_semaphore, #tpu.memory_space<semaphore_mem>>)
    %add3A_154 = arith.constant 25216 : i32
    %add3A_155 = arith.addi %mul3A_2, %add3A_154 : i32
    %multiple_of3A_156 = tpu.assume_multiple %add3A_155, 128 : i32
    %dma_wait3A_157 = arith.constant 0 : i32
    %dma_wait3A_158 = tpu.memref_slice %arg4[%multiple_of3A_156, %dma_wait3A_157] : memref<819200x128xf32, #tpu.memory_space<hbm>> -> memref<128x128xf32, #tpu.memory_space<hbm>>
    %dma_wait3A_159 = arith.constant 0 : i32
    %dma_wait3A_160 = tpu.memref_slice %arg4[%multiple_of3A_156, %dma_wait3A_159] : memref<819200x128xf32, #tpu.memory_space<hbm>> -> memref<128x128xf32, #tpu.memory_space<hbm>>
    tpu.wait_dma2 semaphore(%arg16 : memref<!tpu.dma_semaphore, #tpu.memory_space<semaphore_mem>>) src(%arg7 : memref<128x128xf32, #tpu.memory_space<vmem>>) dst(%dma_wait3A_160 : memref<128x128xf32, #tpu.memory_space<hbm>>)
    %add3A_161 = arith.constant 25344 : i32
    %add3A_162 = arith.addi %mul3A_2, %add3A_161 : i32
    %multiple_of3A_163 = tpu.assume_multiple %add3A_162, 128 : i32
    %dma_wait3A_164 = arith.constant 0 : i32
    %dma_wait3A_165 = tpu.memref_slice %arg4[%multiple_of3A_163, %dma_wait3A_164] : memref<819200x128xf32, #tpu.memory_space<hbm>> -> memref<128x128xf32, #tpu.memory_space<hbm>>
    %dma_wait3A_166 = arith.constant 0 : i32
    %dma_wait3A_167 = tpu.memref_slice %arg4[%multiple_of3A_163, %dma_wait3A_166] : memref<819200x128xf32, #tpu.memory_space<hbm>> -> memref<128x128xf32, #tpu.memory_space<hbm>>
    tpu.wait_dma2 semaphore(%arg17 : memref<!tpu.dma_semaphore, #tpu.memory_space<semaphore_mem>>) src(%arg8 : memref<128x128xf32, #tpu.memory_space<vmem>>) dst(%dma_wait3A_167 : memref<128x128xf32, #tpu.memory_space<hbm>>)
    %add3A_168 = arith.constant 25472 : i32
    %add3A_169 = arith.addi %mul3A_2, %add3A_168 : i32
    %multiple_of3A_170 = tpu.assume_multiple %add3A_169, 128 : i32
    %dma_wait3A_171 = arith.constant 0 : i32
    %dma_wait3A_172 = tpu.memref_slice %arg4[%multiple_of3A_170, %dma_wait3A_171] : memref<819200x128xf32, #tpu.memory_space<hbm>> -> memref<128x128xf32, #tpu.memory_space<hbm>>
    %dma_wait3A_173 = arith.constant 0 : i32
    %dma_wait3A_174 = tpu.memref_slice %arg4[%multiple_of3A_170, %dma_wait3A_173] : memref<819200x128xf32, #tpu.memory_space<hbm>> -> memref<128x128xf32, #tpu.memory_space<hbm>>
    tpu.wait_dma2 semaphore(%arg18 : memref<!tpu.dma_semaphore, #tpu.memory_space<semaphore_mem>>) src(%arg9 : memref<128x128xf32, #tpu.memory_space<vmem>>) dst(%dma_wait3A_174 : memref<128x128xf32, #tpu.memory_space<hbm>>)
    return
  }
}

</mosaic_0001>

<sc_bundles>
// kernel: kernel.3.cloned.1.call-start
scs
__scs_entry_jumppad:
0x0: {  	(pc) =	sbr.rel $0x88, $3  }
0x1: {  	(tag) =	ssettag $0x0;
	lr =	simm.s32 $0x1  }
0x2: {  	[smem:$0x3F9F] =	sst lr;
	_ =	strace $0xD0000000  }
0x3: {  	_ = 	snop  }
0x4: {  	_ = 	snop  }
0x5: {  	_ = 	snop  }
0x6: {  	_ = 	snop  }
0x7: {  	_ = 	snop  }
__scs_overlays_trampoline_lowered:
0x8: {  	[smem:$0x3FAE] =	sst s0  }
0x9: {  	[smem:$0x3FAF] =	sst s1  }
0xa: {  	[smem:$0x3FB0] =	sst s2  }
0xb: {  	[smem:$0x3FB1] =	sst s3  }
0xc: {  	[smem:$0x3FB2] =	sst s4  }
0xd: {  	[smem:$0x3FB3] =	sst s5  }
0xe: {  	[smem:$0x3FB4] =	sst s6  }
0xf: {  	[smem:$0x3FB5] =	sst s7  }
0x10: {  	[smem:$0x3FB6] =	sst s8  }
0x11: {  	[smem:$0x3FB7] =	sst s9;
	s0 =	simm.s32 @!p0 $0x0  }
0x12: {  	s1 =	sld [smem:$0x3F9D];
	s0 =	simm.s32 @p0 $0x1  }
0x13: {  	[smem:$0x3FB8] =	sst s0;
	s0 =	simm.s32 @!p1 $0x0  }
0x14: {  	s2 =	sld [smem:$0x3F9C];
	s0 =	simm.s32 @p1 $0x1  }
0x15: {  	[smem:$0x3FB9] =	sst s0;
	s0 =	simm.s32 @!p2 $0x0  }
0x16: {  	s3 =	sld [smem:$0x3FDB];
	s0 =	simm.s32 @p2 $0x1  }
0x17: {  	s4 =	simm.s32 $0x1BF5;
	[smem:$0x3FBB] =	sst s0  }
0x18: {  	s0 =	sld [smem:$0x3F9E];
	_ =	swait.ge [sflag:s4], $0x0  }
0x19: {  	s7 =	sld [smem:$0x3F9F]  }
0x1a: {  	s8 =	sadd.s32 $0xFFFFE003, lr  }
0x1b: {  	s9 =	sadd.s32 $0xFFFFFEF7, lr;
	s5 =	simm.s32 $0xFFFFFFFF;
	p2 =	slt.u32 s8, $0xFFFFF086  }
0x1c: {  	p1 =	slt.u32 s9, $0xF7A;
	s5 =	simm.s32 @!p2 $0x0  }
0x1d: {  	s5 =	simm.s32 @p1 $0x1;
	p0 =	seq.s32 s7, s2  }
0x1e: {  	s7 =	smul.u32 @!p0 $0xF7A, s2;
	p2 =	seq.s32 @!p0 s5, $0x0  }
0x1f: {  	s9 =	smul.u32 $0xF7A, s1;
	s8 =	simm.s32 @!p0 $0x1BF5;
	p2 =	por !p2, p0  }
0x20: {  	[sflag:s8] =	ssyncset.s32 @!p0 $0xFFFFF086;
	s6 =	sadd.s32 @!p0 s3, s7;
	s7 =	simm.s32 @!p0 $0x108  }
0x21: {  	s3 =	sadd.s32 s3, s9;
	s6 =	sadd.s32 @!p0 $0x88, s6;
	s7 =	simm.s32 @p2 $0x1082  }
0x22: {  	[simem:s7], [sflag:s8] =	dma.local @!p0 [hbm:s6], $0xF7A  }
0x23: {  	s9 =	sor.u32 $0xD0000000, s2;
	s6 =	simm.s32 $0x108;
	_ =	swait.ge @!p0 [sflag:s8], $0x0  }
0x24: {  	s3 =	sadd.s32 $0x88, s3;
	s6 =	simm.s32 @!p1 $0x1082;
	[sflag:s4] =	ssyncset.s32 $0xFFFFF086  }
0x25: {  	[simem:s6], [sflag:s4] =	dma.local [hbm:s3], $0xF7A  }
0x26: {  	[smem:$0x3F9F] =	sst s1;
	(tag) =	ssettag s2;
	_ =	strace s9  }
0x27: {  	s1 =	sld [smem:$0x3FAF]  }
0x28: {  	s2 =	sld [smem:$0x3FB0]  }
0x29: {  	s4 =	sld [smem:$0x3FB2]  }
0x2a: {  	p0 =	seq.s32 s5, $0x0;
	s5 =	sld [smem:$0x3FB3]  }
0x2b: {  	s6 =	sld [smem:$0x3FB4]  }
0x2c: {  	s7 =	sld [smem:$0x3FB5]  }
0x2d: {  	s3 =	simm.s32 $0x108;
	s8 =	sld [smem:$0x3FB6]  }
0x2e: {  	s3 =	simm.s32 @!p0 $0x1082;
	s9 =	sld [smem:$0x3FB7]  }
0x2f: {  	lr =	sadd.s32 s0, s3;
	s0 =	sld [smem:$0x3FAE]  }
0x30: {  	s3 =	sld [smem:$0x3FB1]  }
0x31: {  	[smem:$0x3FBA] =	sst s10  }
0x32: {  	s10 =	sld [smem:$0x3FB8];
	_ =	sdelay $0x3  }
0x33: {  	p0 =	seq.s32 s10, $0x1;
	s10 =	sld [smem:$0x3FBA];
	_ =	sdelay $0x3  }
0x34: {  	[smem:$0x3FBA] =	sst s10  }
0x35: {  	s10 =	sld [smem:$0x3FB9];
	_ =	sdelay $0x3  }
0x36: {  	p1 =	seq.s32 s10, $0x1;
	s10 =	sld [smem:$0x3FBA];
	_ =	sdelay $0x3  }
0x37: {  	[smem:$0x3FBA] =	sst s10  }
0x38: {  	s10 =	sld [smem:$0x3FBB]  }
0x39: {  	_ = 	snop;
	(pc) =	sbr.ind lr, $3  }
0x3a: {  	_ = 	snop  }
0x3b: {  	_ = 	snop  }
0x3c: {  	p2 =	seq.s32 s10, $0x1;
	s10 =	sld [smem:$0x3FBA]  }
0x3d: {  	_ =	shalt  }
0x3e: {  	_ =	shalt  }
0x3f: {  	_ =	shalt  }
0x40: {  	_ =	shalt  }
0x41: {  	_ =	shalt  }
0x42: {  	_ =	shalt  }
0x43: {  	_ =	shalt  }
0x44: {  	_ =	shalt  }
0x45: {  	_ =	shalt  }
0x46: {  	_ =	shalt  }
0x47: {  	_ =	shalt  }
0x48: {  	_ =	shalt  }
0x49: {  	_ =	shalt  }
0x4a: {  	_ =	shalt  }
0x4b: {  	_ =	shalt  }
0x4c: {  	_ =	shalt  }
0x4d: {  	_ =	shalt  }
0x4e: {  	_ =	shalt  }
0x4f: {  	_ =	shalt  }
0x50: {  	_ =	shalt  }
0x51: {  	_ =	shalt  }
0x52: {  	_ =	shalt  }
0x53: {  	_ =	shalt  }
0x54: {  	_ =	shalt  }
0x55: {  	_ =	shalt  }
0x56: {  	_ =	shalt  }
0x57: {  	_ =	shalt  }
0x58: {  	_ =	shalt  }
0x59: {  	_ =	shalt  }
0x5a: {  	_ =	shalt  }
0x5b: {  	_ =	shalt  }
0x5c: {  	_ =	shalt  }
0x5d: {  	_ =	shalt  }
0x5e: {  	_ =	shalt  }
0x5f: {  	_ =	shalt  }
0x60: {  	_ =	shalt  }
0x61: {  	_ =	shalt  }
0x62: {  	_ =	shalt  }
0x63: {  	_ =	shalt  }
0x64: {  	_ =	shalt  }
0x65: {  	_ =	shalt  }
0x66: {  	_ =	shalt  }
0x67: {  	_ =	shalt  }
0x68: {  	_ =	shalt  }
0x69: {  	_ =	shalt  }
0x6a: {  	_ =	shalt  }
0x6b: {  	_ =	shalt  }
0x6c: {  	_ =	shalt  }
0x6d: {  	_ =	shalt  }
0x6e: {  	_ =	shalt  }
0x6f: {  	_ =	shalt  }
0x70: {  	_ =	shalt  }
0x71: {  	_ =	shalt  }
0x72: {  	_ =	shalt  }
0x73: {  	_ =	shalt  }
0x74: {  	_ =	shalt  }
0x75: {  	_ =	shalt  }
0x76: {  	_ =	shalt  }
0x77: {  	_ =	shalt  }
0x78: {  	_ =	shalt  }
0x79: {  	_ =	shalt  }
0x7a: {  	_ =	shalt  }
0x7b: {  	_ =	shalt  }
0x7c: {  	_ =	shalt  }
0x7d: {  	_ =	shalt  }
0x7e: {  	_ =	shalt  }
0x7f: {  	_ =	shalt  }
0x80: {  	_ =	shalt  }
0x81: {  	_ =	shalt  }
0x82: {  	_ =	shalt  }
0x83: {  	_ =	shalt  }
0x84: {  	_ =	shalt  }
0x85: {  	_ =	shalt  }
0x86: {  	_ =	shalt  }
0x87: {  	_ =	shalt  }
.Lfunc_end0:
.L_simem_size_0:
called_computation_lowered:
.L_overlay_start_0:
0x88: {  	s2 =	sld [smem:$0x3FD9]  }
0x89: {  	s3 =	sld [smem:$0x3FFE];
	_ =	sdelay $0x1  }
0x8a: {  	s1 =	srdreg.scid  }
0x8b: {  	s0 =	sand.u32 $0x1, s1  }
0x8c: {  	s17 =	sshll.u32 s0, $0xA;
	s2 =	sadd.s32 s3, s2  }
0x8d: {  	s2 =	sadd.s32 s2, s17  }
0x8e: {  	[smem:$0x3FC6] =	sst s2  }
0x8f: {  	_ = 	snop  }
0x90: {  	s2 =	sld [smem:$0x3FC8]  }
0x91: {  	s18 =	sld [smem:$0x3FD0];
	(tm) =	ssettm $0x1  }
0x92: {  	s4 =	sld [smem:$0x3FFB];
	_ =	sdelay $0x3  }
0x93: {  	_ =	strace s4  }
0x94: {  	s4 =	sld [smem:$0x3FFC];
	_ =	sdelay $0x3  }
0x95: {  	_ =	strace s4  }
0x96: {  	s4 =	sld [smem:$0x3FFD];
	_ =	sdelay $0x3  }
0x97: {  	_ =	strace s4  }
0x98: {  	_ =	strace $0x8FFFFFFF  }
0x99: {  	s19 =	sld [smem:$0x3FDB];
	_ =	sdelay $0x1  }
0x9a: {  	s5 =	simm.s32 $_scs_section_size  }
0x9b: {  	s6 =	simm.s32 $_size__tile_overlayer_lowered;
	s7 =	simm.s32 $_tile_overlayer_lowered  }
0x9c: {  	s22 =	simm.s32 $0x1BFF;
	s21 =	sshll.u32 s7, $0x1;
	s4 =	sadd.s32 s5, s19  }
0x9d: {  	s8 =	simm.s32 $0x0;
	s20 =	sshll.u32 s6, $0x1;
	s6 =	sadd.s32 s21, s4  }
0x9e: {  	[timem:s8], [sflag:s22] =	dma.local [hbm:s6], s20  }
0x9f: {  	_ =	swait.ge [sflag:s22], s20  }
0xa0: {  	s5 =	ssub.s32 $0x0, s20;
	[sflag:s22] =	ssyncset.done $0x0  }
0xa1: {  	[sflag:s22] =	ssyncadd.s32 s5;
	_ =	sdelay $0x1  }
0xa2: {  	s23 =	simm.s32 $0x1B8B  }
0xa3: {  	_ =	swait.ge [sflag:s23], $0x1  }
0xa4: {  	[sflag:s23] =	ssyncset.done $0x0  }
0xa5: {  	s25 =	simm.s32 $0x1B8E;
	s24 =	sld [smem:$0x3FFE];
	[sflag:s23] =	ssyncadd.s32 $0xFFFFFFFF  }
0xa6: {  	s26 =	simm.s32 $execute0_lowered;
	[smem:$0x3FD2] =	sst s25  }
0xa7: {  	s6 =	sshll.u32 s26, $0x1;
	_ =	strace $0x80000046;
	[dreg:$0x1] =	wrdreg $0xFFFFFFFF  }
0xa8: {  	s28 =	simm.s32 $_size_execute0_lowered;
	s4 =	sadd.s32 s4, s6;
	[dreg:$0x0] =	wrdreg $0x0  }
0xa9: {  	s6 =	sshll.u32 s28, $0x1;
	[dreg:$0x2] =	wrdreg s4  }
0xaa: {  	[dreg:$0x3] =	wrdreg s6  }
0xab: {  	[dreg:$0x4] =	wrdreg $0xC0  }
0xac: {  	_ =	task [dreg:s8], $0x5FFFF  }
0xad: {  	[dreg:$0x1] =	wrdreg $0xFFFFFFFF  }
0xae: {  	[dreg:$0x0] =	wrdreg $0x60  }
0xaf: {  	[dreg:$0x2] =	wrdreg s24  }
0xb0: {  	[dreg:$0x3] =	wrdreg s2  }
0xb1: {  	[dreg:$0x4] =	wrdreg s18  }
0xb2: {  	[dreg:$0x5] =	wrdreg $0x164000  }
0xb3: {  	[dreg:$0x6] =	wrdreg $0x9  }
0xb4: {  	_ =	task.clear_ibuf [dreg:s8], $0x7FFFF;
	_ =	strace $0x90000046  }
0xb5: {  	s29 =	simm.s32 $0x9;
	_ =	strace $0x80000048  }
0xb6: {  	_ =	swait.ge [sflag:s29], $0x1  }
0xb7: {  	[sflag:s29] =	ssyncadd.s32 $0xFFFFFFFF  }
0xb8: {  	_ =	strace $0x90000048  }
0xb9: {  	_ =	sfence  }
0xba: {  	s30 =	sld [smem:$0x0];
	_ =	sdelay $0x2  }
0xbb: {  	s31 =	sshll.u32 s1, $0xD;
	s1 =	sshrl.u32 s1, $0x2  }
0xbc: {  	s3 =	sand.u32 $0x4000, s31;
	s1 =	sadd.s32 s1, s30  }
0xbd: {  	s0 =	sor.u32 s3, s0;
	s1 =	sshll.u32 s1, $0x11  }
0xbe: {  	s0 =	sor.u32 s1, s0  }
0xbf: {  	s0 =	sadd.s32 $0x8F2B, s0  }
0xc0: {  	[sflag:s0] =	ssyncadd.remote.s32 $0x1  }
0xc1: {  	_ =	sfence.sel $0xFFFF  }
0xc2: {  	[dreg:$0x0] =	wrdreg $0xFFFFFFFF;
	(pc) =	sbr.abs _section_cstart, $3  }
0xc3: {  	[dreg:$0x1] =	wrdreg $0xFFFFFFFF  }
0xc4: {  	_ =	task.clear_ibuf [dreg:s8], $0x2FFFF;
	_ =	strace $0x9FFFFFFF  }
0xc5: {  	(tm) =	ssettm $0x7FFFFFFF  }
tec
execute0_lowered:
.L_overlay_start_1:
0x0: {  	(tag) =	ssettag $0x1  }
0x1: {  	s0 =	rddreg [dreg:$0x0]  }
0x2: {  	s1 =	rddreg [dreg:$0x2]  }
0x3: {  	s2 =	rddreg [dreg:$0x3]  }
0x4: {  	s4 =	srdreg.scid;
	s10 =	stileid.u32  }
0x5: {  	s3 =	simm.s32 $0x0;
	s13 =	simm.s32 $0x6400;
	s14 =	simm.s32 $0xA400  }
0x6: {  	s15 =	simm.s32 $0xA;
	s16 =	simm.s32 $0xB;
	s17 =	simm.s32 $0x80  }
0x7: {  	s18 =	simm.s32 $0x1;
	s28 =	simm.s32 $0x6;
	s29 =	simm.s32 $0x7  }
0x8: {  	s7 =	sand.u32 $0x1, s4;
	s20 =	sshll.u32 s10, $0x1;
	s25 =	smul.u32 $0xC8000, s10  }
0x9: {  	s30 =	simm.s32 $0x8;
	s5 =	sor.u32 s7, s20;
	s12 =	smul.u32 $0x64000, s7  }
0xa: {  	s31 =	simm.s32 $0x0;
	[smem:$0x7FF] =	sst s3;
	s6 =	smul.u32 $0x6400, s5  }
0xb: {  	s0 =	sadd.s32 $0x400, s0;
	p0 =	sne.s32 s10, $0x0;
	s9 =	smul.u32 $0xC80, s5  }
0xc: {  	_ =	strace $0x80000047;
	s21 =	ssub.s32 $0x2, s7;
	s22 =	smul.u32 $0x320000, s5  }
0xd: {  	s20 =	simm.s32 $0xE400;
	s8 =	sshrl.u32 s21, $0x1;
	s23 =	smul.u32 $0x64000, s5  }
0xe: {  	s11 =	ssub.s32 s21, s8;
	s21 =	simm.s32 $0x2;
	s6 =	sshrl.u32 s6, $0x3  }
0xf: {  	s4 =	sadd.s32 s0, s9;
	s24 =	sshrl.u32 s22, $0x3;
	s10 =	smax.u32 s11, $0x1  }
0x10: {  	s0 =	sadd.s32 s0, s6;
	s6 =	sadd.s32 s1, s23;
	s23 =	simm.s32 $0x12400  }
0x11: {  	s5 =	sadd.s32 $0x680, s0;
	s0 =	sadd.s32 s1, s24;
	s7 =	sadd.s32 $0x800, s6  }
0x12: {  	s1 =	sadd.s32 s25, s1;
	s24 =	simm.s32 $0x3;
	s25 =	simm.s32 $0x5  }
0x13: {  	s8 =	sadd.s32 $0x63000, s0;
	s9 =	sadd.s32 $0x63800, s0;
	s26 =	sadd.s32 s12, s1  }
0x14: {  	s12 =	sshrl.u32 @!p0 s2, $0x3;
	s11 =	sadd.s32 $0x1800, s26;
	s26 =	simm.s32 $0x4  }
.LBB2_1:
0x15: {  	s0 =	simm.s32 @!p0 $0x1C09;
	s1 =	rddreg [dreg:$0x1]  }
0x16: {  	[spmem:s12], [sflag:s0] =	dma.local @!p0 [hbm:s1], $0x1040  }
0x17: {  	[tilespmem:s13], [sflag:$0xA] =	stream.linear.gather [hbm4b:s4+s3], $0x3400, $0x38;
	[tilespmem:$0x16C20] =	vst v63  }
0x18: {  	_ = 	snop  }
0x19: {  	[tilespmem:s14], [sflag:$0xB] =	stream.linear.gather [hbm4b:s5+s3], $0x3000, $0x38;
	[tilespmem:$0x16C20] =	vst v63  }
0x1a: {  	_ =	swait.ge [sflag:s15], $0x3400  }
0x1b: {  	[sflag:s15] =	ssyncset.done $0x0  }
0x1c: {  	s0 =	simm.s32 $0x0;
	[sflag:s15] =	ssyncadd.s32 $0xFFFFCC00  }
0x1d: {  	v0 =	vld [tilespmem:s0+$0x6470]  }
0x1e: {  	v1 =	vld [tilespmem:s0+$0x6400]  }
0x1f: {  	v2 =	vld [tilespmem:s0+$0x6410]  }
0x20: {  	v3 =	vld [tilespmem:s0+$0x6420]  }
0x21: {  	v4 =	vld [tilespmem:s0+$0x6430]  }
0x22: {  	v5 =	vld [tilespmem:s0+$0x6440]  }
0x23: {  	v6 =	vld [tilespmem:s0+$0x6450]  }
0x24: {  	v7 =	vld [tilespmem:s0+$0x6460];
	_ =	sdelay $0x1  }
0x25: {  	v0 =	vadd.f32 v0, v0;
	v1 =	vadd.f32 v1, v1  }
0x26: {  	v2 =	vadd.f32 v2, v2;
	v3 =	vadd.f32 v3, v3  }
0x27: {  	v4 =	vadd.f32 v4, v4;
	v5 =	vadd.f32 v5, v5  }
0x28: {  	v6 =	vadd.f32 v6, v6;
	v7 =	vadd.f32 v7, v7  }
0x29: {  	v0 =	vadd.f32 $1.258291200e+07, v0;
	v1 =	vadd.f32 $1.258291200e+07, v1  }
0x2a: {  	v2 =	vadd.f32 $1.258291200e+07, v2;
	v3 =	vadd.f32 $1.258291200e+07, v3  }
0x2b: {  	v4 =	vadd.f32 $1.258291200e+07, v4;
	v5 =	vadd.f32 $1.258291200e+07, v5  }
0x2c: {  	v6 =	vadd.f32 $1.258291200e+07, v6;
	v0 =	vadd.f32 $-1.258291200e+07, v0  }
0x2d: {  	v7 =	vadd.f32 $1.258291200e+07, v7;
	v1 =	vadd.f32 $-1.258291200e+07, v1  }
0x2e: {  	v2 =	vadd.f32 $-1.258291200e+07, v2;
	v3 =	vadd.f32 $-1.258291200e+07, v3;
	v0 =	vtrunc.f32 v0  }
0x2f: {  	v8 =	vadd.f32 $-1.258291200e+07, v4;
	v5 =	vadd.f32 $-1.258291200e+07, v5;
	v0 =	vcvt.f32.s32 v0  }
0x30: {  	v9 =	vadd.f32 $-1.258291200e+07, v6;
	v7 =	vadd.f32 $-1.258291200e+07, v7;
	v1 =	vtrunc.f32 v1  }
0x31: {  	v10 =	vtrunc.f32 v2;
	v4 =	vtrunc.f32 v3;
	vm0 =	vgt.s32 v0, $0x0  }
0x32: {  	v6 =	vtrunc.f32 v8;
	v3 =	vtrunc.f32 v5;
	v0 =	vnsel vm0, $0x0, v0  }
0x33: {  	v5 =	vtrunc.f32 v9;
	v2 =	vtrunc.f32 v7;
	v0 =	vmin.u32 v0, $0x103  }
0x34: {  	s19 =	simm.s32 $0x400;
	s1 =	simm.s32 $0x80;
	[tilespmem:s0+$0x70] =	vst v0;
	v0 =	vcvt.f32.s32 v1;
	v1 =	vcvt.f32.s32 v10  }
.LBB2_2:
0x35: {  	p1 =	sne.s32 s19, $0xCE00;
	v7 =	vld [tilespmem:s1+$0x6470];
	v4 =	vcvt.f32.s32 v4;
	v6 =	vcvt.f32.s32 v6  }
0x36: {  	v3 =	vcvt.f32.s32 v3;
	v5 =	vcvt.f32.s32 v5;
	v8 =	vld [tilespmem:s1+$0x6400];
	vm0 =	vgt.s32 v0, $0x0  }
0x37: {  	v2 =	vcvt.f32.s32 v2;
	vm1 =	vgt.s32 v1, $0x0;
	v9 =	vld [tilespmem:s1+$0x6410];
	vm2 =	vgt.s32 v4, $0x0  }
0x38: {  	vm3 =	vgt.s32 v6, $0x0;
	vm4 =	vgt.s32 v3, $0x0;
	vm5 =	vgt.s32 v5, $0x0;
	v10 =	vld [tilespmem:s1+$0x6420]  }
0x39: {  	v0 =	vnsel vm0, $0x0, v0;
	v1 =	vnsel vm1, $0x0, v1;
	vm0 =	vgt.s32 v2, $0x0;
	v11 =	vld [tilespmem:s1+$0x6430]  }
0x3a: {  	v4 =	vnsel vm2, $0x0, v4;
	v6 =	vnsel vm3, $0x0, v6;
	v12 =	vld [tilespmem:s1+$0x6440];
	v7 =	vadd.f32 v7, v7  }
0x3b: {  	v3 =	vnsel vm4, $0x0, v3;
	v5 =	vnsel vm5, $0x0, v5;
	v8 =	vadd.f32 v8, v8;
	v13 =	vld [tilespmem:s1+$0x6450]  }
0x3c: {  	v15 =	vnsel vm0, $0x0, v2;
	v9 =	vadd.f32 v9, v9;
	v14 =	vld [tilespmem:s1+$0x6460];
	v7 =	vadd.f32 $1.258291200e+07, v7  }
0x3d: {  	v0 =	vmin.u32 v0, $0x103;
	v2 =	vadd.f32 $1.258291200e+07, v8;
	v8 =	vadd.f32 v10, v10  }
0x3e: {  	v10 =	vadd.f32 v11, v11;
	v7 =	vadd.f32 $-1.258291200e+07, v7;
	[tilespmem:s0+$0x0] =	vst v0;
	v0 =	vmin.u32 v1, $0x103  }
0x3f: {  	v1 =	vadd.f32 $1.258291200e+07, v9;
	v9 =	vadd.f32 v12, v12;
	[tilespmem:s0+$0x10] =	vst v0;
	v0 =	vmin.u32 v4, $0x103  }
0x40: {  	v4 =	vadd.f32 $1.258291200e+07, v8;
	v8 =	vadd.f32 v13, v13;
	v7 =	vtrunc.f32 v7;
	[tilespmem:s0+$0x20] =	vst v0  }
0x41: {  	v0 =	vadd.f32 $1.258291200e+07, v10;
	v10 =	vadd.f32 v14, v14;
	v7 =	vcvt.f32.s32 v7  }
0x42: {  	v6 =	vmin.u32 v6, $0x103;
	v9 =	vadd.f32 $1.258291200e+07, v9;
	v8 =	vadd.f32 $1.258291200e+07, v8  }
0x43: {  	v2 =	vadd.f32 $-1.258291200e+07, v2;
	v10 =	vadd.f32 $1.258291200e+07, v10;
	vm0 =	vgt.s32 v7, $0x0;
	[tilespmem:s0+$0x30] =	vst v6  }
0x44: {  	v1 =	vadd.f32 $-1.258291200e+07, v1;
	v4 =	vadd.f32 $-1.258291200e+07, v4;
	v6 =	vnsel vm0, $0x0, v7  }
0x45: {  	v0 =	vadd.f32 $-1.258291200e+07, v0;
	v7 =	vadd.f32 $-1.258291200e+07, v9;
	v6 =	vmin.u32 v6, $0x103  }
.Ltmp0:
0x46: {  	v9 =	vtrunc.f32 v2;
	v2 =	vadd.f32 $-1.258291200e+07, v8;
	v8 =	vadd.f32 $-1.258291200e+07, v10;
	[tilespmem:s1+$0x70] =	vst v6;
	(pc) =	sbr.rel @p1 .LBB2_2-.Ltmp0, $4  }
0x47: {  	v1 =	vtrunc.f32 v1;
	v4 =	vtrunc.f32 v4;
	v10 =	vmin.u32 v3, $0x103  }
0x48: {  	v6 =	vtrunc.f32 v0;
	v3 =	vtrunc.f32 v7;
	v0 =	vmin.u32 v5, $0x103;
	[tilespmem:s0+$0x40] =	vst v10  }
0x49: {  	v5 =	vtrunc.f32 v2;
	v7 =	vmin.u32 v15, $0x103;
	v2 =	vtrunc.f32 v8;
	[tilespmem:s0+$0x50] =	vst v0  }
0x4a: {  	v1 =	vcvt.f32.s32 v1;
	v0 =	vcvt.f32.s32 v9;
	[tilespmem:s0+$0x60] =	vst v7;
	s0 =	smov.u32 s1;
	s1 =	sshra.s32 s19, $0x2;
	s19 =	sadd.s32 $0x200, s19  }
0x4b: {  	v7 =	vld [tilespmem:s1+$0x6470]  }
0x4c: {  	v8 =	vld [tilespmem:s1+$0x6400]  }
0x4d: {  	v9 =	vld [tilespmem:s1+$0x6410]  }
0x4e: {  	v4 =	vcvt.f32.s32 v4;
	v10 =	vld [tilespmem:s1+$0x6420]  }
0x4f: {  	v6 =	vcvt.f32.s32 v6;
	v3 =	vcvt.f32.s32 v3;
	v11 =	vld [tilespmem:s1+$0x6430]  }
0x50: {  	v5 =	vcvt.f32.s32 v5;
	v2 =	vcvt.f32.s32 v2;
	v12 =	vld [tilespmem:s1+$0x6440];
	vm0 =	vgt.s32 v0, $0x0  }
0x51: {  	v13 =	vld [tilespmem:s1+$0x6450];
	vm1 =	vgt.s32 v1, $0x0;
	vm2 =	vgt.s32 v4, $0x0;
	vm3 =	vgt.s32 v6, $0x0  }
0x52: {  	v14 =	vld [tilespmem:s1+$0x6460];
	vm4 =	vgt.s32 v3, $0x0;
	vm5 =	vgt.s32 v5, $0x0;
	v0 =	vnsel vm0, $0x0, v0  }
0x53: {  	v1 =	vnsel vm1, $0x0, v1;
	vm6 =	vgt.s32 v2, $0x0;
	v4 =	vnsel vm2, $0x0, v4  }
0x54: {  	v6 =	vnsel vm3, $0x0, v6;
	v7 =	vadd.f32 v7, v7;
	v8 =	vadd.f32 v8, v8  }
0x55: {  	v3 =	vnsel vm4, $0x0, v3;
	v9 =	vadd.f32 v9, v9;
	v10 =	vadd.f32 v10, v10  }
0x56: {  	v5 =	vnsel vm5, $0x0, v5;
	v11 =	vadd.f32 v11, v11;
	v12 =	vadd.f32 v12, v12  }
0x57: {  	v2 =	vnsel vm6, $0x0, v2;
	v13 =	vadd.f32 v13, v13;
	v14 =	vadd.f32 v14, v14  }
0x58: {  	v0 =	vmin.u32 v0, $0x103;
	v7 =	vadd.f32 $1.258291200e+07, v7;
	v8 =	vadd.f32 $1.258291200e+07, v8  }
0x59: {  	v1 =	vmin.u32 v1, $0x103;
	v9 =	vadd.f32 $1.258291200e+07, v9;
	v10 =	vadd.f32 $1.258291200e+07, v10  }
0x5a: {  	v4 =	vmin.u32 v4, $0x103;
	v11 =	vadd.f32 $1.258291200e+07, v11;
	v12 =	vadd.f32 $1.258291200e+07, v12  }
0x5b: {  	v6 =	vmin.u32 v6, $0x103;
	v13 =	vadd.f32 $1.258291200e+07, v13;
	v14 =	vadd.f32 $1.258291200e+07, v14  }
0x5c: {  	v3 =	vmin.u32 v3, $0x103;
	v7 =	vadd.f32 $-1.258291200e+07, v7;
	v8 =	vadd.f32 $-1.258291200e+07, v8  }
0x5d: {  	v5 =	vmin.u32 v5, $0x103;
	v9 =	vadd.f32 $-1.258291200e+07, v9;
	v10 =	vadd.f32 $-1.258291200e+07, v10  }
0x5e: {  	v11 =	vadd.f32 $-1.258291200e+07, v11;
	v12 =	vadd.f32 $-1.258291200e+07, v12;
	v7 =	vtrunc.f32 v7  }
0x5f: {  	[tilespmem:s0+$0x0] =	vst v0;
	v0 =	vadd.f32 $-1.258291200e+07, v14;
	v8 =	vtrunc.f32 v8;
	v7 =	vcvt.f32.s32 v7  }
0x60: {  	v13 =	vadd.f32 $-1.258291200e+07, v13;
	v9 =	vtrunc.f32 v9;
	v10 =	vtrunc.f32 v10  }
0x61: {  	[tilespmem:s0+$0x10] =	vst v1;
	v61 =	vtrunc.f32 v12;
	v0 =	vtrunc.f32 v0;
	vm7 =	vgt.s32 v7, $0x0  }
0x62: {  	[tilespmem:s0+$0x30] =	vst v6;
	v6 =	vcvt.f32.s32 v8;
	v0 =	vcvt.f32.s32 v0;
	v7 =	vnsel vm7, $0x0, v7  }
0x63: {  	[tilespmem:s0+$0x20] =	vst v4;
	v4 =	vtrunc.f32 v13;
	v8 =	vcvt.f32.s32 v9;
	v1 =	vmin.u32 v7, $0x103  }
0x64: {  	v4 =	vcvt.f32.s32 v4;
	vm8 =	vgt.s32 v6, $0x0;
	vm14 =	vgt.s32 v0, $0x0;
	[tilespmem:s1+$0x70] =	vst v1  }
0x65: {  	vm9 =	vgt.s32 v8, $0x0;
	v0 =	vnsel vm14, $0x0, v0;
	v7 =	vtrunc.f32 v11;
	[tilespmem:s0+$0x40] =	vst v3  }
0x66: {  	v0 =	vmin.u32 v0, $0x103;
	v1 =	vmin.u32 v2, $0x103;
	v2 =	vcvt.f32.s32 v10;
	[tilespmem:s0+$0x50] =	vst v5  }
0x67: {  	v7 =	vcvt.f32.s32 v7;
	v3 =	vcvt.f32.s32 v61;
	v5 =	vnsel vm8, $0x0, v6;
	[tilespmem:s0+$0x60] =	vst v1  }
0x68: {  	v1 =	vnsel vm9, $0x0, v8;
	vm10 =	vgt.s32 v2, $0x0;
	v5 =	vmin.u32 v5, $0x103;
	[tilespmem:s1+$0x60] =	vst v0  }
0x69: {  	vm11 =	vgt.s32 v7, $0x0;
	v1 =	vmin.u32 v1, $0x103;
	v2 =	vnsel vm10, $0x0, v2;
	[tilespmem:s1+$0x0] =	vst v5  }
0x6a: {  	vm12 =	vgt.s32 v3, $0x0;
	v5 =	vnsel vm11, $0x0, v7;
	[tilespmem:s1+$0x10] =	vst v1;
	v1 =	vmin.u32 v2, $0x103  }
0x6b: {  	vm13 =	vgt.s32 v4, $0x0;
	v2 =	vnsel vm12, $0x0, v3;
	[tilespmem:s1+$0x20] =	vst v1;
	v1 =	vmin.u32 v5, $0x103  }
0x6c: {  	v3 =	vnsel vm13, $0x0, v4;
	[tilespmem:s1+$0x30] =	vst v1;
	v1 =	vmin.u32 v2, $0x103  }
0x6d: {  	[tilespmem:s1+$0x40] =	vst v1;
	v1 =	vmin.u32 v3, $0x103  }
0x6e: {  	[tilespmem:s1+$0x50] =	vst v1  }
0x6f: {  	_ =	swait.ge [sflag:s16], $0x3000  }
0x70: {  	[sflag:s16] =	ssyncset.done $0x0  }
0x71: {  	s0 =	simm.s32 $0x0;
	[sflag:s16] =	ssyncadd.s32 $0xFFFFD000  }
0x72: {  	v0 =	vld [tilespmem:s0+$0xA470]  }
0x73: {  	v1 =	vld [tilespmem:s0+$0xA400]  }
0x74: {  	v2 =	vld [tilespmem:s0+$0xA410]  }
0x75: {  	v3 =	vld [tilespmem:s0+$0xA420]  }
0x76: {  	v4 =	vld [tilespmem:s0+$0xA430]  }
0x77: {  	v5 =	vld [tilespmem:s0+$0xA440]  }
0x78: {  	v6 =	vld [tilespmem:s0+$0xA450]  }
0x79: {  	v7 =	vld [tilespmem:s0+$0xA460];
	_ =	sdelay $0x1  }
0x7a: {  	v0 =	vadd.f32 v0, v0;
	v1 =	vadd.f32 v1, v1  }
0x7b: {  	v2 =	vadd.f32 v2, v2;
	v3 =	vadd.f32 v3, v3  }
0x7c: {  	v4 =	vadd.f32 v4, v4;
	v5 =	vadd.f32 v5, v5  }
0x7d: {  	v6 =	vadd.f32 v6, v6;
	v7 =	vadd.f32 v7, v7  }
0x7e: {  	v0 =	vadd.f32 $1.258291200e+07, v0;
	v1 =	vadd.f32 $1.258291200e+07, v1  }
0x7f: {  	v2 =	vadd.f32 $1.258291200e+07, v2;
	v3 =	vadd.f32 $1.258291200e+07, v3  }
0x80: {  	v4 =	vadd.f32 $1.258291200e+07, v4;
	v5 =	vadd.f32 $1.258291200e+07, v5  }
0x81: {  	v6 =	vadd.f32 $1.258291200e+07, v6;
	v0 =	vadd.f32 $-1.258291200e+07, v0  }
0x82: {  	v7 =	vadd.f32 $1.258291200e+07, v7;
	v1 =	vadd.f32 $-1.258291200e+07, v1  }
0x83: {  	v2 =	vadd.f32 $-1.258291200e+07, v2;
	v3 =	vadd.f32 $-1.258291200e+07, v3;
	v0 =	vtrunc.f32 v0  }
0x84: {  	v8 =	vadd.f32 $-1.258291200e+07, v4;
	v5 =	vadd.f32 $-1.258291200e+07, v5;
	v0 =	vcvt.f32.s32 v0  }
0x85: {  	v62 =	vadd.f32 $-1.258291200e+07, v6;
	v7 =	vadd.f32 $-1.258291200e+07, v7;
	v1 =	vtrunc.f32 v1  }
0x86: {  	v63 =	vtrunc.f32 v2;
	v4 =	vtrunc.f32 v3;
	vm15 =	vgt.s32 v0, $0x0  }
0x87: {  	v6 =	vtrunc.f32 v8;
	v3 =	vtrunc.f32 v5;
	v0 =	vnsel vm15, $0x0, v0  }
0x88: {  	v5 =	vtrunc.f32 v62;
	v2 =	vtrunc.f32 v7;
	v0 =	vmin.u32 v0, $0x103  }
0x89: {  	s19 =	simm.s32 $0x400;
	s1 =	simm.s32 $0x80;
	[tilespmem:s0+$0x3470] =	vst v0;
	v0 =	vcvt.f32.s32 v1;
	v1 =	vcvt.f32.s32 v63  }
.LBB2_4:
0x8a: {  	p1 =	sne.s32 s19, $0xBE00;
	v7 =	vld [tilespmem:s1+$0xA470];
	v4 =	vcvt.f32.s32 v4;
	v6 =	vcvt.f32.s32 v6  }
0x8b: {  	v3 =	vcvt.f32.s32 v3;
	v5 =	vcvt.f32.s32 v5;
	v8 =	vld [tilespmem:s1+$0xA400];
	vm0 =	vgt.s32 v0, $0x0  }
0x8c: {  	v2 =	vcvt.f32.s32 v2;
	vm1 =	vgt.s32 v1, $0x0;
	v9 =	vld [tilespmem:s1+$0xA410];
	vm2 =	vgt.s32 v4, $0x0  }
0x8d: {  	vm3 =	vgt.s32 v6, $0x0;
	vm4 =	vgt.s32 v3, $0x0;
	vm5 =	vgt.s32 v5, $0x0;
	v10 =	vld [tilespmem:s1+$0xA420]  }
0x8e: {  	v0 =	vnsel vm0, $0x0, v0;
	v1 =	vnsel vm1, $0x0, v1;
	vm0 =	vgt.s32 v2, $0x0;
	v11 =	vld [tilespmem:s1+$0xA430]  }
0x8f: {  	v4 =	vnsel vm2, $0x0, v4;
	v6 =	vnsel vm3, $0x0, v6;
	v12 =	vld [tilespmem:s1+$0xA440];
	v7 =	vadd.f32 v7, v7  }
0x90: {  	v3 =	vnsel vm4, $0x0, v3;
	v5 =	vnsel vm5, $0x0, v5;
	v8 =	vadd.f32 v8, v8;
	v13 =	vld [tilespmem:s1+$0xA450]  }
0x91: {  	v15 =	vnsel vm0, $0x0, v2;
	v9 =	vadd.f32 v9, v9;
	v14 =	vld [tilespmem:s1+$0xA460];
	v7 =	vadd.f32 $1.258291200e+07, v7  }
0x92: {  	v0 =	vmin.u32 v0, $0x103;
	v2 =	vadd.f32 $1.258291200e+07, v8;
	v8 =	vadd.f32 v10, v10  }
0x93: {  	v10 =	vadd.f32 v11, v11;
	v7 =	vadd.f32 $-1.258291200e+07, v7;
	[tilespmem:s0+$0x3400] =	vst v0;
	v0 =	vmin.u32 v1, $0x103  }
0x94: {  	v1 =	vadd.f32 $1.258291200e+07, v9;
	v9 =	vadd.f32 v12, v12;
	[tilespmem:s0+$0x3410] =	vst v0;
	v0 =	vmin.u32 v4, $0x103  }
0x95: {  	v4 =	vadd.f32 $1.258291200e+07, v8;
	v8 =	vadd.f32 v13, v13;
	v7 =	vtrunc.f32 v7;
	[tilespmem:s0+$0x3420] =	vst v0  }
0x96: {  	v0 =	vadd.f32 $1.258291200e+07, v10;
	v10 =	vadd.f32 v14, v14;
	v7 =	vcvt.f32.s32 v7  }
0x97: {  	v6 =	vmin.u32 v6, $0x103;
	v9 =	vadd.f32 $1.258291200e+07, v9;
	v8 =	vadd.f32 $1.258291200e+07, v8  }
0x98: {  	v2 =	vadd.f32 $-1.258291200e+07, v2;
	v10 =	vadd.f32 $1.258291200e+07, v10;
	vm0 =	vgt.s32 v7, $0x0;
	[tilespmem:s0+$0x3430] =	vst v6  }
0x99: {  	v1 =	vadd.f32 $-1.258291200e+07, v1;
	v4 =	vadd.f32 $-1.258291200e+07, v4;
	v6 =	vnsel vm0, $0x0, v7  }
0x9a: {  	v0 =	vadd.f32 $-1.258291200e+07, v0;
	v7 =	vadd.f32 $-1.258291200e+07, v9;
	v6 =	vmin.u32 v6, $0x103  }
.Ltmp1:
0x9b: {  	v9 =	vtrunc.f32 v2;
	v2 =	vadd.f32 $-1.258291200e+07, v8;
	v8 =	vadd.f32 $-1.258291200e+07, v10;
	[tilespmem:s1+$0x3470] =	vst v6;
	(pc) =	sbr.rel @p1 .LBB2_4-.Ltmp1, $4  }
0x9c: {  	v1 =	vtrunc.f32 v1;
	v4 =	vtrunc.f32 v4;
	v10 =	vmin.u32 v3, $0x103  }
0x9d: {  	v6 =	vtrunc.f32 v0;
	v3 =	vtrunc.f32 v7;
	v0 =	vmin.u32 v5, $0x103;
	[tilespmem:s0+$0x3440] =	vst v10  }
0x9e: {  	v5 =	vtrunc.f32 v2;
	v7 =	vmin.u32 v15, $0x103;
	v2 =	vtrunc.f32 v8;
	[tilespmem:s0+$0x3450] =	vst v0  }
0x9f: {  	v1 =	vcvt.f32.s32 v1;
	v0 =	vcvt.f32.s32 v9;
	[tilespmem:s0+$0x3460] =	vst v7;
	s0 =	smov.u32 s1;
	s1 =	sshra.s32 s19, $0x2;
	s19 =	sadd.s32 $0x200, s19  }
0xa0: {  	v7 =	vld [tilespmem:s1+$0xA470]  }
0xa1: {  	v8 =	vld [tilespmem:s1+$0xA400]  }
0xa2: {  	v9 =	vld [tilespmem:s1+$0xA410]  }
0xa3: {  	v4 =	vcvt.f32.s32 v4;
	v10 =	vld [tilespmem:s1+$0xA420]  }
0xa4: {  	v6 =	vcvt.f32.s32 v6;
	v3 =	vcvt.f32.s32 v3;
	v11 =	vld [tilespmem:s1+$0xA430]  }
0xa5: {  	v5 =	vcvt.f32.s32 v5;
	v2 =	vcvt.f32.s32 v2;
	v12 =	vld [tilespmem:s1+$0xA440];
	vm0 =	vgt.s32 v0, $0x0  }
0xa6: {  	v13 =	vld [tilespmem:s1+$0xA450];
	vm1 =	vgt.s32 v1, $0x0;
	vm2 =	vgt.s32 v4, $0x0;
	vm3 =	vgt.s32 v6, $0x0  }
0xa7: {  	v14 =	vld [tilespmem:s1+$0xA460];
	vm4 =	vgt.s32 v3, $0x0;
	vm5 =	vgt.s32 v5, $0x0;
	v0 =	vnsel vm0, $0x0, v0  }
0xa8: {  	v1 =	vnsel vm1, $0x0, v1;
	vm7 =	vgt.s32 v2, $0x0;
	v4 =	vnsel vm2, $0x0, v4  }
0xa9: {  	v6 =	vnsel vm3, $0x0, v6;
	v7 =	vadd.f32 v7, v7;
	v8 =	vadd.f32 v8, v8  }
0xaa: {  	v3 =	vnsel vm4, $0x0, v3;
	v9 =	vadd.f32 v9, v9;
	v10 =	vadd.f32 v10, v10  }
0xab: {  	v5 =	vnsel vm5, $0x0, v5;
	v11 =	vadd.f32 v11, v11;
	v12 =	vadd.f32 v12, v12  }
0xac: {  	v2 =	vnsel vm7, $0x0, v2;
	v13 =	vadd.f32 v13, v13;
	v14 =	vadd.f32 v14, v14  }
0xad: {  	v0 =	vmin.u32 v0, $0x103;
	v7 =	vadd.f32 $1.258291200e+07, v7;
	v8 =	vadd.f32 $1.258291200e+07, v8  }
0xae: {  	v1 =	vmin.u32 v1, $0x103;
	v9 =	vadd.f32 $1.258291200e+07, v9;
	v10 =	vadd.f32 $1.258291200e+07, v10  }
0xaf: {  	v4 =	vmin.u32 v4, $0x103;
	v11 =	vadd.f32 $1.258291200e+07, v11;
	v12 =	vadd.f32 $1.258291200e+07, v12  }
0xb0: {  	v6 =	vmin.u32 v6, $0x103;
	v13 =	vadd.f32 $1.258291200e+07, v13;
	v14 =	vadd.f32 $1.258291200e+07, v14  }
0xb1: {  	v3 =	vmin.u32 v3, $0x103;
	v7 =	vadd.f32 $-1.258291200e+07, v7;
	v8 =	vadd.f32 $-1.258291200e+07, v8  }
0xb2: {  	v5 =	vmin.u32 v5, $0x103;
	v9 =	vadd.f32 $-1.258291200e+07, v9;
	v10 =	vadd.f32 $-1.258291200e+07, v10  }
0xb3: {  	v11 =	vadd.f32 $-1.258291200e+07, v11;
	v12 =	vadd.f32 $-1.258291200e+07, v12;
	v7 =	vtrunc.f32 v7  }
0xb4: {  	v13 =	vadd.f32 $-1.258291200e+07, v13;
	v8 =	vtrunc.f32 v8;
	v7 =	vcvt.f32.s32 v7  }
0xb5: {  	[tilespmem:s0+$0x3400] =	vst v0;
	v45 =	vadd.f32 $-1.258291200e+07, v14;
	v9 =	vtrunc.f32 v9;
	v10 =	vtrunc.f32 v10  }
0xb6: {  	[tilespmem:s0+$0x3410] =	vst v1;
	v47 =	vtrunc.f32 v11;
	v48 =	vtrunc.f32 v12;
	vm8 =	vgt.s32 v7, $0x0  }
0xb7: {  	[tilespmem:s0+$0x3420] =	vst v4;
	v49 =	vtrunc.f32 v13;
	v0 =	vtrunc.f32 v45;
	v7 =	vnsel vm8, $0x0, v7  }
0xb8: {  	[tilespmem:s0+$0x3430] =	vst v6;
	v50 =	vcvt.f32.s32 v8;
	v51 =	vcvt.f32.s32 v9;
	v46 =	vmin.u32 v7, $0x103  }
0xb9: {  	v52 =	vmin.u32 v2, $0x103;
	v53 =	vcvt.f32.s32 v10;
	v54 =	vcvt.f32.s32 v48;
	[tilespmem:s1+$0x3470] =	vst v46  }
0xba: {  	v4 =	vcvt.f32.s32 v49;
	v0 =	vcvt.f32.s32 v0;
	vm9 =	vgt.s32 v50, $0x0;
	[tilespmem:s0+$0x3440] =	vst v3  }
0xbb: {  	vm10 =	vgt.s32 v51, $0x0;
	vm11 =	vgt.s32 v53, $0x0;
	v55 =	vnsel vm9, $0x0, v50;
	[tilespmem:s0+$0x3450] =	vst v5  }
0xbc: {  	vm13 =	vgt.s32 v54, $0x0;
	v56 =	vnsel vm10, $0x0, v51;
	[tilespmem:s0+$0x3460] =	vst v52;
	v5 =	vmin.u32 v55, $0x103  }
0xbd: {  	vm14 =	vgt.s32 v4, $0x0;
	v2 =	vnsel vm11, $0x0, v53;
	v1 =	vmin.u32 v56, $0x103;
	[tilespmem:s1+$0x3400] =	vst v5  }
0xbe: {  	v59 =	vnsel vm13, $0x0, v54;
	v7 =	vcvt.f32.s32 v47;
	v58 =	vmin.u32 v2, $0x103;
	[tilespmem:s1+$0x3410] =	vst v1  }
0xbf: {  	vm15 =	vgt.s32 v0, $0x0;
	v61 =	vnsel vm14, $0x0, v4;
	v62 =	vmin.u32 v59, $0x103;
	[tilespmem:s1+$0x3420] =	vst v58  }
0xc0: {  	v0 =	vnsel vm15, $0x0, v0;
	v63 =	vmin.u32 v61, $0x103;
	vm12 =	vgt.s32 v7, $0x0;
	[tilespmem:s1+$0x3440] =	vst v62  }
0xc1: {  	v0 =	vmin.u32 v0, $0x103;
	v57 =	vnsel vm12, $0x0, v7;
	[tilespmem:s1+$0x3450] =	vst v63  }
0xc2: {  	[tilespmem:s1+$0x3460] =	vst v0;
	v60 =	vmin.u32 v57, $0x103  }
0xc3: {  	s0 =	simm.s32 @!p0 $0x9;
	[tilespmem:s1+$0x3430] =	vst v60  }
0xc4: {  	_ =	swait.ge @!p0 [sflag:s0], $0x1040  }
0xc5: {  	[sflag:s0] =	ssyncset.done @!p0 $0x0  }
0xc6: {  	[sflag:s0] =	ssyncadd.s32 @!p0 $0xFFFFEFC0  }
0xc7: {  	s22 =	simm.s32 $0x0;
	[bflag:$0x0] =	sbarrier.arrive $0xFFFF  }
0xc8: {  	[tilespmem:s13], [sflag:$0x1] =	stream.indirect.gather [spmem:s2], $0x80, s22, s17, $0xb8;
	[tilespmem:$0x16C20] =	vst v63  }
0xc9: {  	_ = 	snop  }
0xca: {  	[tilespmem:s14], [sflag:$0x2] =	stream.indirect.gather [spmem:s2], $0x80, s17, s17, $0xb8;
	[tilespmem:$0x16C20] =	vst v63  }
0xcb: {  	_ =	swait.ge [sflag:s18], $0x4000  }
0xcc: {  	[sflag:s18] =	ssyncset.done $0x0  }
0xcd: {  	[sflag:s18] =	ssyncadd.s32 $0xFFFFC000  }
0xce: {  	[hbm4b:s6+s22] =	stream.linear.scatter [tilespmem:s13], [sflag:$0x5], $0x4000, $0x38;
	[tilespmem:$0x16C20] =	vst v63  }
0xcf: {  	s19 =	simm.s32 $0x100  }
0xd0: {  	[tilespmem:s20], [sflag:$0x3] =	stream.indirect.gather [spmem:s2], $0x80, s19, s17, $0xb8;
	[tilespmem:$0x16C20] =	vst v63  }
0xd1: {  	_ =	swait.ge [sflag:s21], $0x4000  }
0xd2: {  	[sflag:s21] =	ssyncset.done $0x0  }
0xd3: {  	[sflag:s21] =	ssyncadd.s32 $0xFFFFC000  }
0xd4: {  	[hbm4b:s7+s22] =	stream.linear.scatter [tilespmem:s14], [sflag:$0x6], $0x4000, $0x38;
	[tilespmem:$0x16C20] =	vst v63  }
0xd5: {  	s22 =	simm.s32 $0x180  }
0xd6: {  	[tilespmem:s23], [sflag:$0x4] =	stream.indirect.gather [spmem:s2], $0x80, s22, s17, $0xb8;
	[tilespmem:$0x16C20] =	vst v63  }
0xd7: {  	_ =	swait.ge [sflag:s24], $0x4000  }
0xd8: {  	[sflag:s24] =	ssyncset.done $0x0  }
0xd9: {  	s1 =	sadd.s32 $0xFFFFF800, s11;
	[sflag:s24] =	ssyncadd.s32 $0xFFFFC000  }
0xda: {  	[hbm4b:s1+s3] =	stream.linear.scatter [tilespmem:s20], [sflag:$0x7], $0x4000, $0x38;
	[tilespmem:$0x16C20] =	vst v63  }
0xdb: {  	_ =	swait.ge [sflag:s25], $0x4000  }
0xdc: {  	[sflag:s25] =	ssyncset.done $0x0  }
0xdd: {  	s19 =	simm.s32 $0x200;
	[sflag:s25] =	ssyncadd.s32 $0xFFFFC000  }
0xde: {  	[tilespmem:s13], [sflag:$0x1] =	stream.indirect.gather [spmem:s2], $0x80, s19, s17, $0xb8;
	[tilespmem:$0x16C20] =	vst v63  }
0xdf: {  	_ =	swait.ge [sflag:s26], $0x4000  }
0xe0: {  	[sflag:s26] =	ssyncset.done $0x0  }
0xe1: {  	[sflag:s26] =	ssyncadd.s32 $0xFFFFC000  }
0xe2: {  	[hbm4b:s11+s3] =	stream.linear.scatter [tilespmem:s23], [sflag:$0x8], $0x4000, $0x38;
	[tilespmem:$0x16C20] =	vst v63  }
0xe3: {  	_ =	swait.ge [sflag:s28], $0x4000  }
0xe4: {  	[sflag:s28] =	ssyncset.done $0x0  }
0xe5: {  	s22 =	simm.s32 $0x280;
	[sflag:s28] =	ssyncadd.s32 $0xFFFFC000  }
0xe6: {  	[tilespmem:s14], [sflag:$0x2] =	stream.indirect.gather [spmem:s2], $0x80, s22, s17, $0xb8;
	[tilespmem:$0x16C20] =	vst v63  }
0xe7: {  	_ =	swait.ge [sflag:s18], $0x4000  }
0xe8: {  	[sflag:s18] =	ssyncset.done $0x0  }
0xe9: {  	s1 =	sadd.s32 $0x800, s11;
	[sflag:s18] =	ssyncadd.s32 $0xFFFFC000  }
0xea: {  	[hbm4b:s1+s3] =	stream.linear.scatter [tilespmem:s13], [sflag:$0x5], $0x4000, $0x38;
	[tilespmem:$0x16C20] =	vst v63  }
0xeb: {  	_ =	swait.ge [sflag:s29], $0x4000  }
0xec: {  	[sflag:s29] =	ssyncset.done $0x0  }
0xed: {  	s19 =	simm.s32 $0x300;
	[sflag:s29] =	ssyncadd.s32 $0xFFFFC000  }
0xee: {  	[tilespmem:s20], [sflag:$0x3] =	stream.indirect.gather [spmem:s2], $0x80, s19, s17, $0xb8;
	[tilespmem:$0x16C20] =	vst v63  }
0xef: {  	_ =	swait.ge [sflag:s21], $0x4000  }
0xf0: {  	[sflag:s21] =	ssyncset.done $0x0  }
0xf1: {  	s22 =	sadd.s32 $0x1000, s11;
	[sflag:s21] =	ssyncadd.s32 $0xFFFFC000  }
0xf2: {  	[hbm4b:s22+s3] =	stream.linear.scatter [tilespmem:s14], [sflag:$0x6], $0x4000, $0x38;
	[tilespmem:$0x16C20] =	vst v63  }
0xf3: {  	_ =	swait.ge [sflag:s30], $0x4000  }
0xf4: {  	s0 =	simm.s32 $0x800;
	[sflag:s30] =	ssyncset.done $0x0  }
0xf5: {  	s1 =	sadd.s32 $0x2000, s11;
	s19 =	simm.s32 $0x380;
	[sflag:s30] =	ssyncadd.s32 $0xFFFFC000  }
.LBB2_6:
0xf6: {  	[tilespmem:s23], [sflag:$0x4] =	stream.indirect.gather [spmem:s2], $0x80, s19, s17, $0xb8;
	[tilespmem:$0x16C20] =	vst v63  }
0xf7: {  	s19 =	smov.u32 s0  }
0xf8: {  	p1 =	sne.s32 s0, $0x18000;
	s0 =	sadd.s32 $0x800, s0;
	_ =	swait.ge [sflag:s24], $0x4000  }
0xf9: {  	[sflag:s24] =	ssyncset.done $0x0  }
0xfa: {  	s22 =	sadd.s32 $0xFFFFF800, s1;
	[sflag:s24] =	ssyncadd.s32 $0xFFFFC000  }
0xfb: {  	[hbm4b:s22+s3] =	stream.linear.scatter [tilespmem:s20], [sflag:$0x7], $0x4000, $0x38;
	[tilespmem:$0x16C20] =	vst v63  }
0xfc: {  	_ =	swait.ge [sflag:s25], $0x4000  }
0xfd: {  	s19 =	sshra.s32 s19, $0x2;
	[sflag:s25] =	ssyncset.done $0x0  }
0xfe: {  	s22 =	sadd.s32 $0x200, s19;
	[sflag:s25] =	ssyncadd.s32 $0xFFFFC000  }
0xff: {  	[tilespmem:s13], [sflag:$0x1] =	stream.indirect.gather [spmem:s2], $0x80, s22, s17, $0xb8;
	[tilespmem:$0x16C20] =	vst v63  }
0x100: {  	_ =	swait.ge [sflag:s26], $0x4000  }
0x101: {  	[sflag:s26] =	ssyncset.done $0x0  }
0x102: {  	[sflag:s26] =	ssyncadd.s32 $0xFFFFC000  }
0x103: {  	[hbm4b:s1+s3] =	stream.linear.scatter [tilespmem:s23], [sflag:$0x8], $0x4000, $0x38;
	[tilespmem:$0x16C20] =	vst v63  }
0x104: {  	_ =	swait.ge [sflag:s28], $0x4000  }
0x105: {  	[sflag:s28] =	ssyncset.done $0x0  }
0x106: {  	s22 =	sadd.s32 $0x280, s19;
	[sflag:s28] =	ssyncadd.s32 $0xFFFFC000  }
0x107: {  	[tilespmem:s14], [sflag:$0x2] =	stream.indirect.gather [spmem:s2], $0x80, s22, s17, $0xb8;
	[tilespmem:$0x16C20] =	vst v63  }
0x108: {  	_ =	swait.ge [sflag:s18], $0x4000  }
0x109: {  	[sflag:s18] =	ssyncset.done $0x0  }
0x10a: {  	s22 =	sadd.s32 $0x800, s1;
	[sflag:s18] =	ssyncadd.s32 $0xFFFFC000  }
0x10b: {  	[hbm4b:s22+s3] =	stream.linear.scatter [tilespmem:s13], [sflag:$0x5], $0x4000, $0x38;
	[tilespmem:$0x16C20] =	vst v63  }
0x10c: {  	_ =	swait.ge [sflag:s29], $0x4000  }
0x10d: {  	[sflag:s29] =	ssyncset.done $0x0  }
0x10e: {  	s22 =	sadd.s32 $0x300, s19;
	[sflag:s29] =	ssyncadd.s32 $0xFFFFC000  }
0x10f: {  	[tilespmem:s20], [sflag:$0x3] =	stream.indirect.gather [spmem:s2], $0x80, s22, s17, $0xb8;
	[tilespmem:$0x16C20] =	vst v63  }
0x110: {  	_ =	swait.ge [sflag:s21], $0x4000  }
0x111: {  	[sflag:s21] =	ssyncset.done $0x0  }
.Ltmp2:
0x112: {  	s22 =	sadd.s32 $0x1000, s1;
	[sflag:s21] =	ssyncadd.s32 $0xFFFFC000;
	(pc) =	sbr.rel @p1 .LBB2_6-.Ltmp2, $4  }
0x113: {  	[hbm4b:s22+s3] =	stream.linear.scatter [tilespmem:s14], [sflag:$0x6], $0x4000, $0x38;
	[tilespmem:$0x16C20] =	vst v63  }
0x114: {  	_ =	swait.ge [sflag:s30], $0x4000  }
0x115: {  	[sflag:s30] =	ssyncset.done $0x0  }
0x116: {  	s19 =	sadd.s32 $0x380, s19;
	s1 =	sadd.s32 $0x2000, s1;
	[sflag:s30] =	ssyncadd.s32 $0xFFFFC000  }
0x117: {  	[tilespmem:s23], [sflag:$0x4] =	stream.indirect.gather [spmem:s2], $0x80, s19, s17, $0xb8;
	[tilespmem:$0x16C20] =	vst v63  }
0x118: {  	_ =	swait.ge [sflag:s24], $0x4000  }
0x119: {  	[sflag:s24] =	ssyncset.done $0x0  }
0x11a: {  	[sflag:s24] =	ssyncadd.s32 $0xFFFFC000  }
0x11b: {  	[hbm4b:s8+s3] =	stream.linear.scatter [tilespmem:s20], [sflag:$0x7], $0x4000, $0x38;
	[tilespmem:$0x16C20] =	vst v63  }
0x11c: {  	_ =	swait.ge [sflag:s25], $0x4000  }
0x11d: {  	[sflag:s25] =	ssyncset.done $0x0  }
0x11e: {  	[sflag:s25] =	ssyncadd.s32 $0xFFFFC000  }
0x11f: {  	_ =	swait.ge [sflag:s26], $0x4000  }
0x120: {  	[sflag:s26] =	ssyncset.done $0x0  }
0x121: {  	[sflag:s26] =	ssyncadd.s32 $0xFFFFC000  }
0x122: {  	[hbm4b:s9+s3] =	stream.linear.scatter [tilespmem:s23], [sflag:$0x8], $0x4000, $0x38;
	[tilespmem:$0x16C20] =	vst v63  }
0x123: {  	_ =	swait.ge [sflag:s28], $0x4000  }
0x124: {  	[sflag:s28] =	ssyncset.done $0x0  }
0x125: {  	s31 =	sadd.s32 $0x1, s31;
	[sflag:s28] =	ssyncadd.s32 $0xFFFFC000  }
0x126: {  	p1 =	sne.s32 s31, s10;
	_ =	swait.ge [sflag:s29], $0x4000  }
.Ltmp3:
0x127: {  	[sflag:s29] =	ssyncset.done $0x0;
	(pc) =	sbr.rel @p1 .LBB2_1-.Ltmp3, $4  }
0x128: {  	[sflag:s29] =	ssyncadd.s32 $0xFFFFC000  }
0x129: {  	_ =	swait.ge [sflag:s30], $0x4000  }
0x12a: {  	[sflag:s30] =	ssyncset.done $0x0  }
0x12b: {  	[sflag:s30] =	ssyncadd.s32 $0xFFFFC000  }
0x12c: {  	_ =	sfence.sel $0x180000  }
0x12d: {  	[bflag:$0x0] =	sbarrier.arrive $0xFFFF  }
0x12e: {  	_ =	strace $0x90000047  }
0x12f: {  	[bflag:$0x2] =	sbarrier.arrive $0xFFFF  }
0x130: {  	s0 =	rddreg [dreg:$0x4]  }
0x131: {  	s0 =	sadd.s32 @!p0 $0x100000, s0  }
0x132: {  	[sflag:s0] =	ssyncadd.tile.s32 @!p0 $0x1;
	_ =	shalt  }
.Lfunc_end2:
_tile_overlayer_lowered:
.L_overlay_start_2:
0x133: {  	(tag) =	ssettag $0x2  }
0x134: {  	s0 =	rddreg [dreg:$0x0];
	s2 =	stileid.u32  }
0x135: {  	s1 =	rddreg [dreg:$0x1];
	p0 =	sne.s32 s2, $0x0  }
0x136: {  	s3 =	rddreg [dreg:$0x2];
	[bflag:$0x3] =	sbarrier.arrive $0xFFFF;
	s2 =	simm.s32 @!p0 $0x1C0C  }
0x137: {  	[timem:s3], [sflag:s2] =	dma.local @!p0 [hbm:s0], s1  }
0x138: {  	s0 =	simm.s32 @!p0 $0xC  }
0x139: {  	_ =	swait.ge @!p0 [sflag:s0], s1  }
0x13a: {  	s1 =	ssub.s32 @!p0 $0x0, s1;
	[sflag:s0] =	ssyncset.done @!p0 $0x0  }
0x13b: {  	[sflag:s0] =	ssyncadd.s32 @!p0 s1  }
0x13c: {  	[bflag:$0x3] =	sbarrier.arrive $0xFFFF  }
0x13d: {  	_ =	shalt  }

</sc_bundles>
